<compile_context>
chip_gen: v7x
topology: tpu7x:2x2x1
jax: 0.10.2.dev20260603
libtpu: 0.0.44.dev20260713+nightly
codegen_flags: <defaults>
</compile_context>

<pallas_src>
import functools

import jax
import jax.numpy as jnp
from jax import lax
from jax.experimental import pallas as pl
from jax.experimental.pallas import tpu as pltpu
from jax.experimental.pallas import tpu_sc as plsc

TOP_K = 5
ALPHA = 0.5
_PREC = None


def _mm(a, b):
    return lax.dot_general(a, b, (((a.ndim - 1,), (0,)), ((), ())),
                           precision=_PREC, preferred_element_type=jnp.float32)


def _shift_time(x, s):
    if s == 0:
        return x
    bb, ll, cc = x.shape
    z = jnp.zeros((bb, s, cc), x.dtype)
    return jnp.concatenate([z, x[:, :ll - s, :]], axis=1)


def _grn_block(x, w1, b1, w2, b2, wg, bg, wv, bv, ln_g, ln_b, wskip):
    skip = _mm(x, wskip) if wskip is not None else x
    h0 = _mm(x, w1) + b1
    h = jnp.where(h0 > 0, h0, jnp.exp(jnp.minimum(h0, 0.0)) - 1.0)
    h = _mm(h, w2) + b2
    glu = jax.nn.sigmoid(_mm(h, wg) + bg) * (_mm(h, wv) + bv)
    y = skip + glu
    mu = jnp.mean(y, axis=-1, keepdims=True)
    var = jnp.var(y, axis=-1, keepdims=True)
    return ln_g * (y - mu) / jnp.sqrt(var + 1e-5) + ln_b



def _prefix_body(dyn_ref, static_ref, cd_ref, ta_ref, beta_ref,
                 wc0_ref, b0_ref, wr0_ref, wc1_ref, b1_ref, wr1_ref,
                 wc2_ref, b2_ref,
                 gs_refs, gc_refs,
                 hcur_out, hglob_out, qn_out, yprop_out, beta_out):
    x = dyn_ref[...]
    dil = (1, 2, 4)
    convs = ((wc0_ref, b0_ref, wr0_ref), (wc1_ref, b1_ref, wr1_ref),
             (wc2_ref, b2_ref, None))
    for i, (wc, b, wr) in enumerate(convs):
        d = dil[i]
        xcat = jnp.concatenate(
            [_shift_time(x, 2 * d), _shift_time(x, d), x], axis=2)
        bb, ll, c3 = xcat.shape
        y = jax.nn.relu(_mm(xcat.reshape(bb * ll, c3), wc[...]) + b[...])
        x2d = x.reshape(bb * ll, x.shape[2])
        res = _mm(x2d, wr[...]) if wr is not None else x2d
        x = (y + res).reshape(bb, ll, y.shape[-1])

    h_cur = x[:, x.shape[1] - 1, :]
    h_glob = jnp.mean(x, axis=1)

    gs = [r[...] for r in gs_refs]
    h_static = _grn_block(static_ref[...], *gs[:10], gs[10])
    gc = [r[...] for r in gc_refs]
    h_cur = h_cur + _grn_block(h_static, *gc[:10], None)
    h_glob = h_glob + h_static

    nrm = jnp.sqrt(jnp.sum(h_cur * h_cur, axis=-1, keepdims=True))
    qn_out[...] = h_cur / (nrm + 1e-8)
    hcur_out[...] = h_cur
    hglob_out[...] = h_glob

    beta_pos = jax.nn.softplus(beta_ref[...])
    beta_out[...] = beta_pos
    decay = jnp.exp(-beta_pos[0, 0] * ta_ref[...])
    yprop_out[...] = jnp.sum(cd_ref[...] * decay, axis=1, keepdims=True)


def _run_prefix(dynamic, static, chain_delays, turnaround_times, params):
    b, l, nd = dynamic.shape
    d = 128
    bb = 128 if b % 128 == 0 else b
    grid = (b // bb,)

    tcn = params['tcn']
    wcs, bs, wrs = [], [], []
    for lyr in tcn:
        w = lyr['W']
        wcs.append(jnp.transpose(w, (2, 1, 0)).reshape(-1, w.shape[0]))
        bs.append(lyr['b'].reshape(1, -1))
        wrs.append(jnp.transpose(lyr['Wres']) if 'Wres' in lyr else None)

    def grn_flat(p, skip):
        out = [p['W1'], p['b1'].reshape(1, -1), p['W2'], p['b2'].reshape(1, -1),
               p['Wg'], p['bg'].reshape(1, -1), p['Wv'], p['bv'].reshape(1, -1),
               p['ln_g'].reshape(1, -1), p['ln_b'].reshape(1, -1)]
        if skip:
            out.append(p['Wskip'])
        return out

    gs_list = grn_flat(params['grn_static'], True)
    gc_list = grn_flat(params['static_ctx'], False)

    beta = params['delay']['beta'].reshape(1, 1)

    operands = ([dynamic, static, chain_delays, turnaround_times, beta,
                 wcs[0], bs[0], wrs[0], wcs[1], bs[1], wrs[1], wcs[2], bs[2]]
                + gs_list + gc_list)

    def bspec(arr, mapped):
        nd_ = arr.ndim
        if mapped:
            shape = (bb,) + arr.shape[1:]
            return pl.BlockSpec(shape, lambda i: (i,) + (0,) * (nd_ - 1))
        return pl.BlockSpec(arr.shape, lambda i: (0,) * nd_)

    in_specs = [bspec(dynamic, True), bspec(static, True),
                bspec(chain_delays, True), bspec(turnaround_times, True),
                bspec(beta, False)]
    in_specs += [bspec(a, False) for a in operands[5:]]

    out_shape = [jax.ShapeDtypeStruct((b, d), jnp.float32),
                 jax.ShapeDtypeStruct((b, d), jnp.float32),
                 jax.ShapeDtypeStruct((b, d), jnp.float32),
                 jax.ShapeDtypeStruct((b, 1), jnp.float32),
                 jax.ShapeDtypeStruct((1, 1), jnp.float32)]
    out_specs = [pl.BlockSpec((bb, d), lambda i: (i, 0)),
                 pl.BlockSpec((bb, d), lambda i: (i, 0)),
                 pl.BlockSpec((bb, d), lambda i: (i, 0)),
                 pl.BlockSpec((bb, 1), lambda i: (i, 0)),
                 pl.BlockSpec((1, 1), lambda i: (0, 0))]

    def body(*refs):
        (dyn, st, cd, ta, bt, wc0, b0, wr0, wc1, b1, wr1, wc2, b2) = refs[:13]
        gs_refs = refs[13:24]
        gc_refs = refs[24:34]
        outs = refs[34:]
        _prefix_body(dyn, st, cd, ta, bt, wc0, b0, wr0, wc1, b1, wr1,
                     wc2, b2, gs_refs, gc_refs, *outs)

    return pl.pallas_call(
        body, grid=grid, in_specs=in_specs, out_specs=out_specs,
        out_shape=out_shape)(*operands)



def _topk_body(qn_ref, db_ref, vals_out, idx_out, sv, si, *, nsteps, nb):
    j = pl.program_id(0)

    db = db_ref[...]
    nrm = jnp.sqrt(jnp.sum(db * db, axis=-1, keepdims=True))
    dbn = db / (nrm + 1e-8)
    s = lax.dot_general(qn_ref[...], dbn, (((1,), (1,)), ((), ())),
                        precision=_PREC, preferred_element_type=jnp.float32)

    bq = s.shape[0]
    colf = lax.broadcasted_iota(jnp.int32, (bq, nb), 1).astype(jnp.float32)
    base = (j * nb).astype(jnp.float32)
    bvs, bis = [], []
    for t in range(TOP_K):
        m = jnp.max(s, axis=1, keepdims=True)
        am = jnp.min(jnp.where(s == m, colf, float(nb)), axis=1, keepdims=True)
        bvs.append(m)
        bis.append(am + base)
        if t < TOP_K - 1:
            s = jnp.where(colf == am, -jnp.inf, s)

    @pl.when(j == 0)
    def _init():
        sv[...] = jnp.full(sv.shape, -jnp.inf, jnp.float32)
        si[...] = jnp.zeros(si.shape, jnp.float32)

    cv = jnp.concatenate([sv[...]] + bvs, axis=1)
    ci = jnp.concatenate([si[...]] + bis, axis=1)
    big = jnp.float32(1e9)
    nvs, nis = [], []
    for t in range(TOP_K):
        m = jnp.max(cv, axis=1, keepdims=True)
        am = jnp.min(jnp.where(cv == m, ci, big), axis=1, keepdims=True)
        nvs.append(m)
        nis.append(am)
        if t < TOP_K - 1:
            cv = jnp.where(ci == am, -jnp.inf, cv)
    sv[...] = jnp.concatenate(nvs, axis=1)
    si[...] = jnp.concatenate(nis, axis=1)

    @pl.when(j == nsteps - 1)
    def _fin():
        vals_out[...] = sv[...]
        idx_out[...] = si[...].astype(jnp.int32)


def _run_topk(qn, database):
    b, d = qn.shape
    db_rows = database.shape[0]
    nb = 2000 if db_rows % 2000 == 0 else db_rows
    nsteps = db_rows // nb

    return pl.pallas_call(
        functools.partial(_topk_body, nsteps=nsteps, nb=nb),
        grid=(nsteps,),
        in_specs=[pl.BlockSpec((b, d), lambda j: (0, 0)),
                  pl.BlockSpec((nb, d), lambda j: (j, 0))],
        out_specs=[pl.BlockSpec((b, TOP_K), lambda j: (0, 0)),
                   pl.BlockSpec((b, TOP_K), lambda j: (0, 0))],
        out_shape=[jax.ShapeDtypeStruct((b, TOP_K), jnp.float32),
                   jax.ShapeDtypeStruct((b, TOP_K), jnp.int32)],
        scratch_shapes=[pltpu.VMEM((b, TOP_K), jnp.float32),
                        pltpu.VMEM((b, TOP_K), jnp.float32)],
    )(qn, database)



def _run_gather_sc(database, flat_idx):
    n = flat_idx.shape[0]
    d = database.shape[1]
    info = plsc.get_sparse_core_info()
    nw = info.num_cores * info.num_subcores
    b_per_w = n // nw
    nchunks = 1
    while b_per_w // nchunks > 128 or (b_per_w // nchunks) % 8 != 0:
        nchunks += 1
    chunk = b_per_w // nchunks
    num_cores = info.num_cores

    @functools.partial(
        pl.kernel,
        mesh=plsc.VectorSubcoreMesh(core_axis_name="c", subcore_axis_name="s"),
        out_type=jax.ShapeDtypeStruct((n, d), jnp.float32),
        scratch_types=[pltpu.VMEM((b_per_w,), jnp.int32),
                       pltpu.VMEM((b_per_w, d), jnp.float32),
                       pltpu.SemaphoreType.DMA],
    )
    def gather(table_hbm, idx_hbm, out_hbm, idx_v, rows_v, sem):
        wid = lax.axis_index("s") * num_cores + lax.axis_index("c")
        base = wid * b_per_w
        pltpu.sync_copy(idx_hbm.at[pl.ds(base, b_per_w)], idx_v)
        for c in range(nchunks):
            pltpu.async_copy(table_hbm.at[idx_v.at[pl.ds(c * chunk, chunk)]],
                             rows_v.at[pl.ds(c * chunk, chunk)], sem).wait()
        pltpu.sync_copy(rows_v, out_hbm.at[pl.ds(base, b_per_w)])

    return gather(database, flat_idx)



def _tail_body(hcur_ref, hglob_ref, vals_ref, rows_ref, yprop_ref,
               fw1, fb1, fw2, fb2, fwo, fbo, dwp, dbp,
               hw1, hb1, hw2, hb2, hw3, hb3,
               pred_out, hf_out):
    v = vals_ref[...]
    w = jax.nn.softmax(v, axis=-1)
    rows = rows_ref[...]
    h_ret = jnp.zeros((rows.shape[0], rows.shape[2]), jnp.float32)
    for i in range(TOP_K):
        h_ret = h_ret + w[:, i:i + 1] * rows[:, i, :]

    h_cur = hcur_ref[...]
    h_glob = hglob_ref[...]
    h_f = ALPHA * h_ret + (1.0 - ALPHA) * h_cur
    hf_out[...] = h_f

    ssum = h_cur + h_f + h_glob
    pooled = ssum / 3.0
    a = jax.nn.relu(_mm(pooled, fw1[...]) + fb1[...])
    a = jax.nn.sigmoid(_mm(a, fw2[...]) + fb2[...])
    h_fused = _mm(ssum * a, fwo[...]) + fbo[...]

    h_prop = jax.nn.relu(_mm(yprop_ref[...], dwp[...]) + dbp[...])
    h_final = jnp.concatenate([h_fused, h_prop], axis=-1)
    x = jax.nn.relu(_mm(h_final, hw1[...]) + hb1[...])
    x = jax.nn.relu(_mm(x, hw2[...]) + hb2[...])
    pred_out[...] = _mm(x, hw3[...]) + hb3[...]


def _run_tail(h_cur, h_glob, top_vals, rows, y_prop, params):
    b, d = h_cur.shape
    fp, dp, hp = params['fusion'], params['delay'], params['head']
    ops = [h_cur, h_glob, top_vals, rows, y_prop,
           fp['W1'], fp['b1'].reshape(1, -1), fp['W2'], fp['b2'].reshape(1, -1),
           fp['Wo'], fp['bo'].reshape(1, -1),
           dp['Wp'], dp['bp'].reshape(1, -1),
           hp['W1'], hp['b1'].reshape(1, -1), hp['W2'], hp['b2'].reshape(1, -1),
           hp['W3'], hp['b3'].reshape(1, -1)]
    in_specs = [pl.BlockSpec(a.shape, lambda _n=a.ndim: (0,) * _n) for a in ops]
    return pl.pallas_call(
        _tail_body,
        in_specs=in_specs,
        out_specs=[pl.BlockSpec((b, 1), lambda: (0, 0)),
                   pl.BlockSpec((b, d), lambda: (0, 0))],
        out_shape=[jax.ShapeDtypeStruct((b, 1), jnp.float32),
                   jax.ShapeDtypeStruct((b, d), jnp.float32)],
    )(*ops)



def kernel(dynamic, static, chain_delays, turnaround_times, params, database):
    h_cur, h_glob, qn, y_prop, beta_pos = _run_prefix(
        dynamic, static, chain_delays, turnaround_times, params)
    top_vals, top_idx = _run_topk(qn, database)
    rows = _run_gather_sc(database, top_idx.reshape(-1))
    rows = rows.reshape(top_idx.shape[0], TOP_K, database.shape[1])
    pred, h_f = _run_tail(h_cur, h_glob, top_vals, rows, y_prop, params)
    return (pred[:, 0], h_cur, h_glob, h_f, y_prop[:, 0],
            beta_pos.reshape(()))

# --- scband reference (transcript-rebuilt; emitter-appended) ---
"""Pipeline reference for scband-tftdcp-21775484191063 (READ-ONLY COPY).

The authoritative reference and input builder live on the scoring server;
editing this copy changes nothing except your own understanding.
"""

import jax, jax.numpy as jnp
import numpy as np

TOP_K = 5
ALPHA = 0.5

def _dense(key, shape):
    return jax.random.normal(key, shape, dtype=jnp.float32) * 0.02

def _grn_params(key, din, dhid, dout, skip):
    ks = jax.random.split(key, 5)
    p = {'W1': _dense(ks[0], (din, dhid)), 'b1': jnp.zeros((dhid,), jnp.float32),
         'W2': _dense(ks[1], (dhid, dout)), 'b2': jnp.zeros((dout,), jnp.float32),
         'Wg': _dense(ks[2], (dout, dout)), 'bg': jnp.zeros((dout,), jnp.float32),
         'Wv': _dense(ks[3], (dout, dout)), 'bv': jnp.zeros((dout,), jnp.float32),
         'ln_g': jnp.ones((dout,), jnp.float32), 'ln_b': jnp.zeros((dout,), jnp.float32)}
    if skip:
        p['Wskip'] = _dense(ks[4], (din, dout))
    return p

def setup_inputs(seed: int = 0):
    key = jax.random.key(seed)
    ks = jax.random.split(key, 24)
    B, L, ND, NS, D, DB = 1024, 50, 32, 64, 128, 100000
    dynamic = jax.random.normal(ks[0], (B, L, ND), dtype=jnp.float32)
    static = jax.random.normal(ks[1], (B, NS), dtype=jnp.float32)
    chain_delays = jax.random.uniform(ks[2], (B, L), dtype=jnp.float32)
    turnaround_times = jax.random.uniform(ks[3], (B, L), dtype=jnp.float32)
    database = jax.random.normal(ks[4], (DB, D), dtype=jnp.float32)
    params = {
        'tcn': [
            {'W': _dense(ks[5], (64, ND, 3)), 'b': jnp.zeros((64,), jnp.float32), 'Wres': _dense(ks[6], (64, ND))},
            {'W': _dense(ks[7], (128, 64, 3)), 'b': jnp.zeros((128,), jnp.float32), 'Wres': _dense(ks[8], (128, 64))},
            {'W': _dense(ks[9], (128, 128, 3)), 'b': jnp.zeros((128,), jnp.float32)},
        ],
        'grn_static': _grn_params(ks[10], NS, 64, D, skip=True),
        'static_ctx': _grn_params(ks[11], D, 64, D, skip=False),
        'fusion': {'W1': _dense(ks[12], (D, D // 4)), 'b1': jnp.zeros((D // 4,), jnp.float32),
                   'W2': _dense(ks[13], (D // 4, D)), 'b2': jnp.zeros((D,), jnp.float32),
                   'Wo': _dense(ks[14], (D, D)), 'bo': jnp.zeros((D,), jnp.float32)},
        'delay': {'beta': jnp.array(1.0, jnp.float32), 'Wp': _dense(ks[15], (1, D)), 'bp': jnp.zeros((D,), jnp.float32)},
        'head': {'W1': _dense(ks[16], (2 * D, D)), 'b1': jnp.zeros((D,), jnp.float32),
                 'W2': _dense(ks[17], (D, D // 2)), 'b2': jnp.zeros((D // 2,), jnp.float32),
                 'W3': _dense(ks[18], (D // 2, 1)), 'b3': jnp.zeros((1,), jnp.float32)},
    }
    return {'dynamic': dynamic, 'static': static, 'chain_delays': chain_delays,
            'turnaround_times': turnaround_times, 'params': params, 'database': database}

def _grn(x, p):
    skip = x @ p['Wskip'] if 'Wskip' in p else x
    h = jax.nn.elu(x @ p['W1'] + p['b1'])
    h = h @ p['W2'] + p['b2']
    glu = jax.nn.sigmoid(h @ p['Wg'] + p['bg']) * (h @ p['Wv'] + p['bv'])
    y = skip + glu
    mu = jnp.mean(y, axis=-1, keepdims=True)
    var = jnp.var(y, axis=-1, keepdims=True)
    return p['ln_g'] * (y - mu) / jnp.sqrt(var + 1e-5) + p['ln_b']

def _causal_conv(x, W, b, dilation):
    pad = (W.shape[2] - 1) * dilation
    xp = jnp.pad(x, ((0, 0), (0, 0), (pad, 0)))
    y = jax.lax.conv_general_dilated(xp, W, window_strides=(1,), padding='VALID',
                                     rhs_dilation=(dilation,), dimension_numbers=('NCH', 'OIH', 'NCH'))
    return y + b[None, :, None]

def _tcn(dynamic, layers):
    x = jnp.transpose(dynamic, (0, 2, 1))
    for i, lyr in enumerate(layers):
        y = jax.nn.relu(_causal_conv(x, lyr['W'], lyr['b'], 2 ** i))
        res = jnp.einsum('oc,bcl->bol', lyr['Wres'], x) if 'Wres' in lyr else x
        x = y + res
    h_dyn = jnp.transpose(x, (0, 2, 1))
    return h_dyn, jnp.mean(h_dyn, axis=1)

def _forward(dynamic, static, chain_delays, turnaround_times, params, database):
    h_dynamic, h_global = _tcn(dynamic, params['tcn'])
    h_current = h_dynamic[:, -1, :]
    h_static = _grn(static, params['grn_static'])
    h_current = h_current + _grn(h_static, params['static_ctx'])
    h_global = h_global + h_static
    qn = h_current / (jnp.linalg.norm(h_current, axis=-1, keepdims=True) + 1e-8)
    dbn = database / (jnp.linalg.norm(database, axis=-1, keepdims=True) + 1e-8)
    sims = qn @ dbn.T
    top_vals, top_idx = jax.lax.top_k(sims, TOP_K)
    w = jax.nn.softmax(top_vals, axis=-1)
    retrieved = jnp.take(database, top_idx, axis=0)
    h_ret = jnp.sum(w[..., None] * retrieved, axis=1)
    h_f = ALPHA * h_ret + (1.0 - ALPHA) * h_current
    fp = params['fusion']
    stacked = jnp.stack([h_current, h_f, h_global], axis=1)
    pooled = jnp.mean(stacked, axis=1)
    a = jax.nn.relu(pooled @ fp['W1'] + fp['b1'])
    a = jax.nn.sigmoid(a @ fp['W2'] + fp['b2'])
    h_fused = jnp.sum(stacked * a[:, None, :], axis=1) @ fp['Wo'] + fp['bo']
    dp = params['delay']
    beta_pos = jax.nn.softplus(dp['beta'])
    decay = jnp.exp(-beta_pos * turnaround_times)
    y_prop = jnp.sum(chain_delays * decay, axis=1, keepdims=True)
    h_prop = jax.nn.relu(y_prop @ dp['Wp'] + dp['bp'])
    hp = params['head']
    h_final = jnp.concatenate([h_fused, h_prop], axis=-1)
    x = jax.nn.relu(h_final @ hp['W1'] + hp['b1'])
    x = jax.nn.relu(x @ hp['W2'] + hp['b2'])
    prediction = (x @ hp['W3'] + hp['b3'])[:, 0]
    return prediction, h_current, h_global, h_f, y_prop[:, 0], beta_pos

def reference(dynamic, static, chain_delays, turnaround_times, params, database):
    return _forward(dynamic, static, chain_delays, turnaround_times, params, database)

if __name__ == "__main__":
    import jax
    _d = setup_inputs()
    print(jax.jit(kernel)(*tuple(_d.values())))

</pallas_src>

<mosaic_0001>
#map = affine_map<(d0, d1) -> (0, 0)>
#map1 = affine_map<(d0, d1) -> (0)>
module attributes {stable_mosaic.version = 14 : i64} {
  func.func @gather(%arg0: i32, %arg1: i32, %arg2: memref<100000x128xf32, #tpu.memory_space<hbm>>, %arg3: memref<5120xi32, #tpu.memory_space<hbm>>, %arg4: memref<5120x128xf32, #tpu.memory_space<hbm>>, %arg5: memref<160xi32, #tpu.memory_space<vmem>>, %arg6: memref<160x128xf32, #tpu.memory_space<vmem>>, %arg7: memref<!tpu.dma_semaphore, #tpu.memory_space<semaphore_mem>>) attributes {dimension_semantics = [#tpu.dimension_semantics<core_parallel>, #tpu.dimension_semantics<subcore_parallel>], iteration_bounds = array<i64: 2, 16>, scalar_prefetch = 0 : i64, scratch_operands = 3 : i64, tpu.core_type = #tpu.core_type<sc_vector_subcore>, window_params = [{transform_indices = #map}, {transform_indices = #map1}, {transform_indices = #map}]} {
    %mul3A = arith.constant 2 : i32
    %mul3A_0 = arith.muli %arg1, %mul3A : i32
    %add3A = arith.addi %mul3A_0, %arg0 : i32
    %mul3A_1 = arith.constant 160 : i32
    %mul3A_2 = arith.muli %add3A, %mul3A_1 : i32
    "tpu.region"() ({
      %run_scoped3A = tpu.sem_alloc : memref<!tpu.dma_semaphore, #tpu.memory_space<semaphore_mem>>
      %dma_start3A_33 = tpu.memref_slice %arg3[%mul3A_2] : memref<5120xi32, #tpu.memory_space<hbm>> -> memref<160xi32, #tpu.memory_space<hbm>>
      %dma_start3A_34 = tpu.memref_slice %arg3[%mul3A_2] : memref<5120xi32, #tpu.memory_space<hbm>> -> memref<160xi32, #tpu.memory_space<hbm>>
      tpu.enqueue_dma source(%dma_start3A_34 : memref<160xi32, #tpu.memory_space<hbm>>) target(%arg5 : memref<160xi32, #tpu.memory_space<vmem>>) target_semaphore(%run_scoped3A : memref<!tpu.dma_semaphore, #tpu.memory_space<semaphore_mem>>)
      %dma_wait3A_35 = tpu.memref_slice %arg3[%mul3A_2] : memref<5120xi32, #tpu.memory_space<hbm>> -> memref<160xi32, #tpu.memory_space<hbm>>
      %dma_wait3A_36 = tpu.memref_slice %arg3[%mul3A_2] : memref<5120xi32, #tpu.memory_space<hbm>> -> memref<160xi32, #tpu.memory_space<hbm>>
      tpu.wait_dma2 semaphore(%run_scoped3A : memref<!tpu.dma_semaphore, #tpu.memory_space<semaphore_mem>>) src(%dma_wait3A_36 : memref<160xi32, #tpu.memory_space<hbm>>) dst(%arg5 : memref<160xi32, #tpu.memory_space<vmem>>)
      tpu.yield
    }) : () -> ()
    %dma_start3A = arith.constant 0 : i32
    %dma_start3A_3 = arith.constant 0 : i32
    %dma_start3A_4 = tpu.memref_slice %arg6[%dma_start3A, %dma_start3A_3] : memref<160x128xf32, #tpu.memory_space<vmem>> -> memref<80x128xf32, #tpu.memory_space<vmem>>
    %dma_start3A_5 = arith.constant 0 : i32
    %dma_start3A_6 = tpu.memref_slice %arg5[%dma_start3A_5] : memref<160xi32, #tpu.memory_space<vmem>> -> memref<80xi32, #tpu.memory_space<vmem>>
    %dma_start3A_7 = arith.constant 0 : i32
    %dma_start3A_8 = arith.constant 0 : i32
    %dma_start3A_9 = tpu.memref_slice %arg2[%dma_start3A_7, %dma_start3A_8] : memref<100000x128xf32, #tpu.memory_space<hbm>> -> memref<100000x128xf32, #tpu.memory_space<hbm>>
    tpu.enqueue_indirect_dma source(%dma_start3A_9 : memref<100000x128xf32, #tpu.memory_space<hbm>>) target(%dma_start3A_4 : memref<80x128xf32, #tpu.memory_space<vmem>>) offsets(%dma_start3A_6 : memref<80xi32, #tpu.memory_space<vmem>>) semaphore(%arg7 : memref<!tpu.dma_semaphore, #tpu.memory_space<semaphore_mem>>)
    %dma_wait3A = arith.constant 0 : i32
    %dma_wait3A_10 = arith.constant 0 : i32
    %dma_wait3A_11 = tpu.memref_slice %arg6[%dma_wait3A, %dma_wait3A_10] : memref<160x128xf32, #tpu.memory_space<vmem>> -> memref<80x128xf32, #tpu.memory_space<vmem>>
    %dma_wait3A_12 = arith.constant 0 : i32
    %dma_wait3A_13 = tpu.memref_slice %arg5[%dma_wait3A_12] : memref<160xi32, #tpu.memory_space<vmem>> -> memref<80xi32, #tpu.memory_space<vmem>>
    %dma_wait3A_14 = arith.constant 0 : i32
    %dma_wait3A_15 = arith.constant 0 : i32
    %dma_wait3A_16 = tpu.memref_slice %arg2[%dma_wait3A_14, %dma_wait3A_15] : memref<100000x128xf32, #tpu.memory_space<hbm>> -> memref<100000x128xf32, #tpu.memory_space<hbm>>
    tpu.wait_indirect_dma semaphore(%arg7 : memref<!tpu.dma_semaphore, #tpu.memory_space<semaphore_mem>>) src(%dma_wait3A_16 : memref<100000x128xf32, #tpu.memory_space<hbm>>) dst(%dma_wait3A_11 : memref<80x128xf32, #tpu.memory_space<vmem>>)
    %dma_start3A_17 = arith.constant 80 : i32
    %dma_start3A_18 = arith.constant 0 : i32
    %dma_start3A_19 = tpu.memref_slice %arg6[%dma_start3A_17, %dma_start3A_18] : memref<160x128xf32, #tpu.memory_space<vmem>> -> memref<80x128xf32, #tpu.memory_space<vmem>>
    %dma_start3A_20 = arith.constant 80 : i32
    %dma_start3A_21 = tpu.memref_slice %arg5[%dma_start3A_20] : memref<160xi32, #tpu.memory_space<vmem>> -> memref<80xi32, #tpu.memory_space<vmem>>
    %dma_start3A_22 = arith.constant 0 : i32
    %dma_start3A_23 = arith.constant 0 : i32
    %dma_start3A_24 = tpu.memref_slice %arg2[%dma_start3A_22, %dma_start3A_23] : memref<100000x128xf32, #tpu.memory_space<hbm>> -> memref<100000x128xf32, #tpu.memory_space<hbm>>
    tpu.enqueue_indirect_dma source(%dma_start3A_24 : memref<100000x128xf32, #tpu.memory_space<hbm>>) target(%dma_start3A_19 : memref<80x128xf32, #tpu.memory_space<vmem>>) offsets(%dma_start3A_21 : memref<80xi32, #tpu.memory_space<vmem>>) semaphore(%arg7 : memref<!tpu.dma_semaphore, #tpu.memory_space<semaphore_mem>>)
    %dma_wait3A_25 = arith.constant 80 : i32
    %dma_wait3A_26 = arith.constant 0 : i32
    %dma_wait3A_27 = tpu.memref_slice %arg6[%dma_wait3A_25, %dma_wait3A_26] : memref<160x128xf32, #tpu.memory_space<vmem>> -> memref<80x128xf32, #tpu.memory_space<vmem>>
    %dma_wait3A_28 = arith.constant 80 : i32
    %dma_wait3A_29 = tpu.memref_slice %arg5[%dma_wait3A_28] : memref<160xi32, #tpu.memory_space<vmem>> -> memref<80xi32, #tpu.memory_space<vmem>>
    %dma_wait3A_30 = arith.constant 0 : i32
    %dma_wait3A_31 = arith.constant 0 : i32
    %dma_wait3A_32 = tpu.memref_slice %arg2[%dma_wait3A_30, %dma_wait3A_31] : memref<100000x128xf32, #tpu.memory_space<hbm>> -> memref<100000x128xf32, #tpu.memory_space<hbm>>
    tpu.wait_indirect_dma semaphore(%arg7 : memref<!tpu.dma_semaphore, #tpu.memory_space<semaphore_mem>>) src(%dma_wait3A_32 : memref<100000x128xf32, #tpu.memory_space<hbm>>) dst(%dma_wait3A_27 : memref<80x128xf32, #tpu.memory_space<vmem>>)
    "tpu.region"() ({
      %run_scoped3A = tpu.sem_alloc : memref<!tpu.dma_semaphore, #tpu.memory_space<semaphore_mem>>
      %dma_start3A_33 = arith.constant 0 : i32
      %dma_start3A_34 = tpu.memref_slice %arg4[%mul3A_2, %dma_start3A_33] : memref<5120x128xf32, #tpu.memory_space<hbm>> -> memref<160x128xf32, #tpu.memory_space<hbm>>
      %dma_start3A_35 = arith.constant 0 : i32
      %dma_start3A_36 = tpu.memref_slice %arg4[%mul3A_2, %dma_start3A_35] : memref<5120x128xf32, #tpu.memory_space<hbm>> -> memref<160x128xf32, #tpu.memory_space<hbm>>
      tpu.enqueue_dma source(%arg6 : memref<160x128xf32, #tpu.memory_space<vmem>>) target(%dma_start3A_36 : memref<160x128xf32, #tpu.memory_space<hbm>>) target_semaphore(%run_scoped3A : memref<!tpu.dma_semaphore, #tpu.memory_space<semaphore_mem>>)
      %dma_wait3A_37 = arith.constant 0 : i32
      %dma_wait3A_38 = tpu.memref_slice %arg4[%mul3A_2, %dma_wait3A_37] : memref<5120x128xf32, #tpu.memory_space<hbm>> -> memref<160x128xf32, #tpu.memory_space<hbm>>
      %dma_wait3A_39 = arith.constant 0 : i32
      %dma_wait3A_40 = tpu.memref_slice %arg4[%mul3A_2, %dma_wait3A_39] : memref<5120x128xf32, #tpu.memory_space<hbm>> -> memref<160x128xf32, #tpu.memory_space<hbm>>
      tpu.wait_dma2 semaphore(%run_scoped3A : memref<!tpu.dma_semaphore, #tpu.memory_space<semaphore_mem>>) src(%arg6 : memref<160x128xf32, #tpu.memory_space<vmem>>) dst(%dma_wait3A_40 : memref<160x128xf32, #tpu.memory_space<hbm>>)
      tpu.yield
    }) : () -> ()
    return
  }
}

module attributes {stable_mosaic.version = 14 : i64} {
  func.func @body(%arg0: i32, %arg1: memref<128x50x32xf32, #tpu.memory_space<vmem>>, %arg2: memref<128x64xf32, #tpu.memory_space<vmem>>, %arg3: memref<128x50xf32, #tpu.memory_space<vmem>>, %arg4: memref<128x50xf32, #tpu.memory_space<vmem>>, %arg5: memref<1x1xf32, #tpu.memory_space<vmem>>, %arg6: memref<96x64xf32, #tpu.memory_space<vmem>>, %arg7: memref<1x64xf32, #tpu.memory_space<vmem>>, %arg8: memref<32x64xf32, #tpu.memory_space<vmem>>, %arg9: memref<192x128xf32, #tpu.memory_space<vmem>>, %arg10: memref<1x128xf32, #tpu.memory_space<vmem>>, %arg11: memref<64x128xf32, #tpu.memory_space<vmem>>, %arg12: memref<384x128xf32, #tpu.memory_space<vmem>>, %arg13: memref<1x128xf32, #tpu.memory_space<vmem>>, %arg14: memref<64x64xf32, #tpu.memory_space<vmem>>, %arg15: memref<1x64xf32, #tpu.memory_space<vmem>>, %arg16: memref<64x128xf32, #tpu.memory_space<vmem>>, %arg17: memref<1x128xf32, #tpu.memory_space<vmem>>, %arg18: memref<128x128xf32, #tpu.memory_space<vmem>>, %arg19: memref<1x128xf32, #tpu.memory_space<vmem>>, %arg20: memref<128x128xf32, #tpu.memory_space<vmem>>, %arg21: memref<1x128xf32, #tpu.memory_space<vmem>>, %arg22: memref<1x128xf32, #tpu.memory_space<vmem>>, %arg23: memref<1x128xf32, #tpu.memory_space<vmem>>, %arg24: memref<64x128xf32, #tpu.memory_space<vmem>>, %arg25: memref<128x64xf32, #tpu.memory_space<vmem>>, %arg26: memref<1x64xf32, #tpu.memory_space<vmem>>, %arg27: memref<64x128xf32, #tpu.memory_space<vmem>>, %arg28: memref<1x128xf32, #tpu.memory_space<vmem>>, %arg29: memref<128x128xf32, #tpu.memory_space<vmem>>, %arg30: memref<1x128xf32, #tpu.memory_space<vmem>>, %arg31: memref<128x128xf32, #tpu.memory_space<vmem>>, %arg32: memref<1x128xf32, #tpu.memory_space<vmem>>, %arg33: memref<1x128xf32, #tpu.memory_space<vmem>>, %arg34: memref<1x128xf32, #tpu.memory_space<vmem>>, %arg35: memref<128x128xf32, #tpu.memory_space<vmem>>, %arg36: memref<128x128xf32, #tpu.memory_space<vmem>>, %arg37: memref<128x128xf32, #tpu.memory_space<vmem>>, %arg38: memref<128x1xf32, #tpu.memory_space<vmem>>, %arg39: memref<1x1xf32, #tpu.memory_space<vmem>>) attributes {dimension_semantics = [#tpu.dimension_semantics<arbitrary>], iteration_bounds = array<i64: 8>, scalar_prefetch = 0 : i64, scratch_operands = 0 : i64, tpu.core_type = #tpu.core_type<tc>, window_params = [{transform_indices = @transform_0, window_bounds = array<i64: 128, 50, 32>}, {transform_indices = @transform_1, window_bounds = array<i64: 128, 64>}, {transform_indices = @transform_2, window_bounds = array<i64: 128, 50>}, {transform_indices = @transform_3, window_bounds = array<i64: 128, 50>}, {pipeline_mode = #tpu.pipeline_mode<synchronous>, transform_indices = @transform_4, window_bounds = array<i64: 1, 1>}, {pipeline_mode = #tpu.pipeline_mode<synchronous>, transform_indices = @transform_5, window_bounds = array<i64: 96, 64>}, {pipeline_mode = #tpu.pipeline_mode<synchronous>, transform_indices = @transform_6, window_bounds = array<i64: 1, 64>}, {pipeline_mode = #tpu.pipeline_mode<synchronous>, transform_indices = @transform_7, window_bounds = array<i64: 32, 64>}, {pipeline_mode = #tpu.pipeline_mode<synchronous>, transform_indices = @transform_8, window_bounds = array<i64: 192, 128>}, {pipeline_mode = #tpu.pipeline_mode<synchronous>, transform_indices = @transform_9, window_bounds = array<i64: 1, 128>}, {pipeline_mode = #tpu.pipeline_mode<synchronous>, transform_indices = @transform_10, window_bounds = array<i64: 64, 128>}, {pipeline_mode = #tpu.pipeline_mode<synchronous>, transform_indices = @transform_11, window_bounds = array<i64: 384, 128>}, {pipeline_mode = #tpu.pipeline_mode<synchronous>, transform_indices = @transform_12, window_bounds = array<i64: 1, 128>}, {pipeline_mode = #tpu.pipeline_mode<synchronous>, transform_indices = @transform_13, window_bounds = array<i64: 64, 64>}, {pipeline_mode = #tpu.pipeline_mode<synchronous>, transform_indices = @transform_14, window_bounds = array<i64: 1, 64>}, {pipeline_mode = #tpu.pipeline_mode<synchronous>, transform_indices = @transform_15, window_bounds = array<i64: 64, 128>}, {pipeline_mode = #tpu.pipeline_mode<synchronous>, transform_indices = @transform_16, window_bounds = array<i64: 1, 128>}, {pipeline_mode = #tpu.pipeline_mode<synchronous>, transform_indices = @transform_17, window_bounds = array<i64: 128, 128>}, {pipeline_mode = #tpu.pipeline_mode<synchronous>, transform_indices = @transform_18, window_bounds = array<i64: 1, 128>}, {pipeline_mode = #tpu.pipeline_mode<synchronous>, transform_indices = @transform_19, window_bounds = array<i64: 128, 128>}, {pipeline_mode = #tpu.pipeline_mode<synchronous>, transform_indices = @transform_20, window_bounds = array<i64: 1, 128>}, {pipeline_mode = #tpu.pipeline_mode<synchronous>, transform_indices = @transform_21, window_bounds = array<i64: 1, 128>}, {pipeline_mode = #tpu.pipeline_mode<synchronous>, transform_indices = @transform_22, window_bounds = array<i64: 1, 128>}, {pipeline_mode = #tpu.pipeline_mode<synchronous>, transform_indices = @transform_23, window_bounds = array<i64: 64, 128>}, {pipeline_mode = #tpu.pipeline_mode<synchronous>, transform_indices = @transform_24, window_bounds = array<i64: 128, 64>}, {pipeline_mode = #tpu.pipeline_mode<synchronous>, transform_indices = @transform_25, window_bounds = array<i64: 1, 64>}, {pipeline_mode = #tpu.pipeline_mode<synchronous>, transform_indices = @transform_26, window_bounds = array<i64: 64, 128>}, {pipeline_mode = #tpu.pipeline_mode<synchronous>, transform_indices = @transform_27, window_bounds = array<i64: 1, 128>}, {pipeline_mode = #tpu.pipeline_mode<synchronous>, transform_indices = @transform_28, window_bounds = array<i64: 128, 128>}, {pipeline_mode = #tpu.pipeline_mode<synchronous>, transform_indices = @transform_29, window_bounds = array<i64: 1, 128>}, {pipeline_mode = #tpu.pipeline_mode<synchronous>, transform_indices = @transform_30, window_bounds = array<i64: 128, 128>}, {pipeline_mode = #tpu.pipeline_mode<synchronous>, transform_indices = @transform_31, window_bounds = array<i64: 1, 128>}, {pipeline_mode = #tpu.pipeline_mode<synchronous>, transform_indices = @transform_32, window_bounds = array<i64: 1, 128>}, {pipeline_mode = #tpu.pipeline_mode<synchronous>, transform_indices = @transform_33, window_bounds = array<i64: 1, 128>}, {transform_indices = @transform_34, window_bounds = array<i64: 128, 128>}, {transform_indices = @transform_35, window_bounds = array<i64: 128, 128>}, {transform_indices = @transform_36, window_bounds = array<i64: 128, 128>}, {transform_indices = @transform_37, window_bounds = array<i64: 128, 1>}, {pipeline_mode = #tpu.pipeline_mode<synchronous>, transform_indices = @transform_38, window_bounds = array<i64: 1, 1>}]} {
    %get3A = arith.constant 0 : index
    %get3A_0 = arith.constant 0 : index
    %get3A_1 = arith.constant 0 : index
    %get3A_2 = vector.load %arg1[%get3A, %get3A_0, %get3A_1] : memref<128x50x32xf32, #tpu.memory_space<vmem>>, vector<128x50x32xf32>
    %broadcast_in_dim3A = arith.constant 0.000000e+00 : f32
    %broadcast_in_dim3A_3 = vector.broadcast %broadcast_in_dim3A : f32 to vector<128x2x32xf32>
    %slice3A = vector.extract_strided_slice %get3A_2 {offsets = [0, 0, 0], sizes = [128, 48, 32], strides = [1, 1, 1]} : vector<128x50x32xf32> to vector<128x48x32xf32>
    %concatenate3A = tpu.concatenate %broadcast_in_dim3A_3, %slice3A in 1 : vector<128x2x32xf32>, vector<128x48x32xf32> -> vector<128x50x32xf32>
    %broadcast_in_dim3A_4 = arith.constant 0.000000e+00 : f32
    %broadcast_in_dim3A_5 = vector.broadcast %broadcast_in_dim3A_4 : f32 to vector<128x1x32xf32>
    %slice3A_6 = vector.extract_strided_slice %get3A_2 {offsets = [0, 0, 0], sizes = [128, 49, 32], strides = [1, 1, 1]} : vector<128x50x32xf32> to vector<128x49x32xf32>
    %concatenate3A_7 = tpu.concatenate %broadcast_in_dim3A_5, %slice3A_6 in 1 : vector<128x1x32xf32>, vector<128x49x32xf32> -> vector<128x50x32xf32>
    %concatenate3A_8 = tpu.concatenate %concatenate3A, %concatenate3A_7, %get3A_2 in 2 : vector<128x50x32xf32>, vector<128x50x32xf32>, vector<128x50x32xf32> -> vector<128x50x96xf32>
    %reshape3A = vector.shape_cast %concatenate3A_8 : vector<128x50x96xf32> to vector<6400x96xf32>
    %get3A_9 = arith.constant 0 : index
    %get3A_10 = arith.constant 0 : index
    %get3A_11 = vector.load %arg6[%get3A_9, %get3A_10] : memref<96x64xf32, #tpu.memory_space<vmem>>, vector<96x64xf32>
    %dot_general3A = arith.constant dense<0.000000e+00> : vector<6400x64xf32>
    %dot_general3A_12 = tpu.matmul %reshape3A, %get3A_11, %dot_general3A {dimension_numbers = #tpu.dot_dimension_numbers<[1], [0], [0], [1], [0, 0, 1, 1], [], []>, transpose_lhs_hint = false} : vector<6400x96xf32>, vector<96x64xf32>, vector<6400x64xf32> -> vector<6400x64xf32>
    %get3A_13 = arith.constant 0 : index
    %get3A_14 = arith.constant 0 : index
    %get3A_15 = vector.load %arg7[%get3A_13, %get3A_14] : memref<1x64xf32, #tpu.memory_space<vmem>>, vector<1x64xf32>
    %add3A = vector.broadcast %get3A_15 : vector<1x64xf32> to vector<6400x64xf32>
    %add3A_16 = arith.addf %dot_general3A_12, %add3A : vector<6400x64xf32>
    %max3A = arith.constant 0.000000e+00 : f32
    %max3A_17 = vector.broadcast %max3A : f32 to vector<6400x64xf32>
    %max3A_18 = arith.maximumf %add3A_16, %max3A_17 : vector<6400x64xf32>
    %reshape3A_19 = vector.shape_cast %get3A_2 : vector<128x50x32xf32> to vector<6400x32xf32>
    %get3A_20 = arith.constant 0 : index
    %get3A_21 = arith.constant 0 : index
    %get3A_22 = vector.load %arg8[%get3A_20, %get3A_21] : memref<32x64xf32, #tpu.memory_space<vmem>>, vector<32x64xf32>
    %dot_general3A_23 = arith.constant dense<0.000000e+00> : vector<6400x64xf32>
    %dot_general3A_24 = tpu.matmul %reshape3A_19, %get3A_22, %dot_general3A_23 {dimension_numbers = #tpu.dot_dimension_numbers<[1], [0], [0], [1], [0, 0, 1, 1], [], []>, transpose_lhs_hint = false} : vector<6400x32xf32>, vector<32x64xf32>, vector<6400x64xf32> -> vector<6400x64xf32>
    %add3A_25 = arith.addf %max3A_18, %dot_general3A_24 : vector<6400x64xf32>
    %reshape3A_26 = vector.shape_cast %add3A_25 : vector<6400x64xf32> to vector<128x50x64xf32>
    %broadcast_in_dim3A_27 = arith.constant 0.000000e+00 : f32
    %broadcast_in_dim3A_28 = vector.broadcast %broadcast_in_dim3A_27 : f32 to vector<128x4x64xf32>
    %slice3A_29 = vector.extract_strided_slice %reshape3A_26 {offsets = [0, 0, 0], sizes = [128, 46, 64], strides = [1, 1, 1]} : vector<128x50x64xf32> to vector<128x46x64xf32>
    %concatenate3A_30 = tpu.concatenate %broadcast_in_dim3A_28, %slice3A_29 in 1 : vector<128x4x64xf32>, vector<128x46x64xf32> -> vector<128x50x64xf32>
    %broadcast_in_dim3A_31 = arith.constant 0.000000e+00 : f32
    %broadcast_in_dim3A_32 = vector.broadcast %broadcast_in_dim3A_31 : f32 to vector<128x2x64xf32>
    %slice3A_33 = vector.extract_strided_slice %reshape3A_26 {offsets = [0, 0, 0], sizes = [128, 48, 64], strides = [1, 1, 1]} : vector<128x50x64xf32> to vector<128x48x64xf32>
    %concatenate3A_34 = tpu.concatenate %broadcast_in_dim3A_32, %slice3A_33 in 1 : vector<128x2x64xf32>, vector<128x48x64xf32> -> vector<128x50x64xf32>
    %concatenate3A_35 = tpu.concatenate %concatenate3A_30, %concatenate3A_34, %reshape3A_26 in 2 : vector<128x50x64xf32>, vector<128x50x64xf32>, vector<128x50x64xf32> -> vector<128x50x192xf32>
    %reshape3A_36 = vector.shape_cast %concatenate3A_35 : vector<128x50x192xf32> to vector<6400x192xf32>
    %get3A_37 = arith.constant 0 : index
    %get3A_38 = arith.constant 0 : index
    %get3A_39 = vector.load %arg9[%get3A_37, %get3A_38] : memref<192x128xf32, #tpu.memory_space<vmem>>, vector<192x128xf32>
    %dot_general3A_40 = arith.constant dense<0.000000e+00> : vector<6400x128xf32>
    %dot_general3A_41 = tpu.matmul %reshape3A_36, %get3A_39, %dot_general3A_40 {dimension_numbers = #tpu.dot_dimension_numbers<[1], [0], [0], [1], [0, 0, 1, 1], [], []>, transpose_lhs_hint = false} : vector<6400x192xf32>, vector<192x128xf32>, vector<6400x128xf32> -> vector<6400x128xf32>
    %get3A_42 = arith.constant 0 : index
    %get3A_43 = arith.constant 0 : index
    %get3A_44 = vector.load %arg10[%get3A_42, %get3A_43] : memref<1x128xf32, #tpu.memory_space<vmem>>, vector<1x128xf32>
    %add3A_45 = vector.broadcast %get3A_44 : vector<1x128xf32> to vector<6400x128xf32>
    %add3A_46 = arith.addf %dot_general3A_41, %add3A_45 : vector<6400x128xf32>
    %max3A_47 = arith.constant 0.000000e+00 : f32
    %max3A_48 = vector.broadcast %max3A_47 : f32 to vector<6400x128xf32>
    %max3A_49 = arith.maximumf %add3A_46, %max3A_48 : vector<6400x128xf32>
    %reshape3A_50 = vector.shape_cast %reshape3A_26 : vector<128x50x64xf32> to vector<6400x64xf32>
    %get3A_51 = arith.constant 0 : index
    %get3A_52 = arith.constant 0 : index
    %get3A_53 = vector.load %arg11[%get3A_51, %get3A_52] : memref<64x128xf32, #tpu.memory_space<vmem>>, vector<64x128xf32>
    %dot_general3A_54 = arith.constant dense<0.000000e+00> : vector<6400x128xf32>
    %dot_general3A_55 = tpu.matmul %reshape3A_50, %get3A_53, %dot_general3A_54 {dimension_numbers = #tpu.dot_dimension_numbers<[1], [0], [0], [1], [0, 0, 1, 1], [], []>, transpose_lhs_hint = false} : vector<6400x64xf32>, vector<64x128xf32>, vector<6400x128xf32> -> vector<6400x128xf32>
    %add3A_56 = arith.addf %max3A_49, %dot_general3A_55 : vector<6400x128xf32>
    %reshape3A_57 = vector.shape_cast %add3A_56 : vector<6400x128xf32> to vector<128x50x128xf32>
    %broadcast_in_dim3A_58 = arith.constant 0.000000e+00 : f32
    %broadcast_in_dim3A_59 = vector.broadcast %broadcast_in_dim3A_58 : f32 to vector<128x8x128xf32>
    %slice3A_60 = vector.extract_strided_slice %reshape3A_57 {offsets = [0, 0, 0], sizes = [128, 42, 128], strides = [1, 1, 1]} : vector<128x50x128xf32> to vector<128x42x128xf32>
    %concatenate3A_61 = tpu.concatenate %broadcast_in_dim3A_59, %slice3A_60 in 1 : vector<128x8x128xf32>, vector<128x42x128xf32> -> vector<128x50x128xf32>
    %broadcast_in_dim3A_62 = arith.constant 0.000000e+00 : f32
    %broadcast_in_dim3A_63 = vector.broadcast %broadcast_in_dim3A_62 : f32 to vector<128x4x128xf32>
    %slice3A_64 = vector.extract_strided_slice %reshape3A_57 {offsets = [0, 0, 0], sizes = [128, 46, 128], strides = [1, 1, 1]} : vector<128x50x128xf32> to vector<128x46x128xf32>
    %concatenate3A_65 = tpu.concatenate %broadcast_in_dim3A_63, %slice3A_64 in 1 : vector<128x4x128xf32>, vector<128x46x128xf32> -> vector<128x50x128xf32>
    %concatenate3A_66 = tpu.concatenate %concatenate3A_61, %concatenate3A_65, %reshape3A_57 in 2 : vector<128x50x128xf32>, vector<128x50x128xf32>, vector<128x50x128xf32> -> vector<128x50x384xf32>
    %reshape3A_67 = vector.shape_cast %concatenate3A_66 : vector<128x50x384xf32> to vector<6400x384xf32>
    %get3A_68 = arith.constant 0 : index
    %get3A_69 = arith.constant 0 : index
    %get3A_70 = vector.load %arg12[%get3A_68, %get3A_69] : memref<384x128xf32, #tpu.memory_space<vmem>>, vector<384x128xf32>
    %dot_general3A_71 = arith.constant dense<0.000000e+00> : vector<6400x128xf32>
    %dot_general3A_72 = tpu.matmul %reshape3A_67, %get3A_70, %dot_general3A_71 {dimension_numbers = #tpu.dot_dimension_numbers<[1], [0], [0], [1], [0, 0, 1, 1], [], []>, transpose_lhs_hint = false} : vector<6400x384xf32>, vector<384x128xf32>, vector<6400x128xf32> -> vector<6400x128xf32>
    %get3A_73 = arith.constant 0 : index
    %get3A_74 = arith.constant 0 : index
    %get3A_75 = vector.load %arg13[%get3A_73, %get3A_74] : memref<1x128xf32, #tpu.memory_space<vmem>>, vector<1x128xf32>
    %add3A_76 = vector.broadcast %get3A_75 : vector<1x128xf32> to vector<6400x128xf32>
    %add3A_77 = arith.addf %dot_general3A_72, %add3A_76 : vector<6400x128xf32>
    %max3A_78 = arith.constant 0.000000e+00 : f32
    %max3A_79 = vector.broadcast %max3A_78 : f32 to vector<6400x128xf32>
    %max3A_80 = arith.maximumf %add3A_77, %max3A_79 : vector<6400x128xf32>
    %reshape3A_81 = vector.shape_cast %reshape3A_57 : vector<128x50x128xf32> to vector<6400x128xf32>
    %add3A_82 = arith.addf %max3A_80, %reshape3A_81 : vector<6400x128xf32>
    %reshape3A_83 = vector.shape_cast %add3A_82 : vector<6400x128xf32> to vector<128x50x128xf32>
    %slice3A_84 = vector.extract_strided_slice %reshape3A_83 {offsets = [0, 49, 0], sizes = [128, 1, 128], strides = [1, 1, 1]} : vector<128x50x128xf32> to vector<128x1x128xf32>
    %squeeze3A = vector.shape_cast %slice3A_84 : vector<128x1x128xf32> to vector<128x128xf32>
    %reduce_sum3A = arith.constant dense<0.000000e+00> : vector<128x128xf32>
    %reduce_sum3A_85 = vector.multi_reduction <add>, %reshape3A_83, %reduce_sum3A [1] : vector<128x50x128xf32> to vector<128x128xf32>
    %div3A = arith.constant 5.000000e+01 : f32
    %div3A_86 = vector.broadcast %div3A : f32 to vector<128x128xf32>
    %div3A_87 = arith.divf %reduce_sum3A_85, %div3A_86 : vector<128x128xf32>
    %get3A_88 = arith.constant 0 : index
    %get3A_89 = arith.constant 0 : index
    %get3A_90 = vector.load %arg14[%get3A_88, %get3A_89] : memref<64x64xf32, #tpu.memory_space<vmem>>, vector<64x64xf32>
    %get3A_91 = arith.constant 0 : index
    %get3A_92 = arith.constant 0 : index
    %get3A_93 = vector.load %arg15[%get3A_91, %get3A_92] : memref<1x64xf32, #tpu.memory_space<vmem>>, vector<1x64xf32>
    %get3A_94 = arith.constant 0 : index
    %get3A_95 = arith.constant 0 : index
    %get3A_96 = vector.load %arg16[%get3A_94, %get3A_95] : memref<64x128xf32, #tpu.memory_space<vmem>>, vector<64x128xf32>
    %get3A_97 = arith.constant 0 : index
    %get3A_98 = arith.constant 0 : index
    %get3A_99 = vector.load %arg17[%get3A_97, %get3A_98] : memref<1x128xf32, #tpu.memory_space<vmem>>, vector<1x128xf32>
    %get3A_100 = arith.constant 0 : index
    %get3A_101 = arith.constant 0 : index
    %get3A_102 = vector.load %arg18[%get3A_100, %get3A_101] : memref<128x128xf32, #tpu.memory_space<vmem>>, vector<128x128xf32>
    %get3A_103 = arith.constant 0 : index
    %get3A_104 = arith.constant 0 : index
    %get3A_105 = vector.load %arg19[%get3A_103, %get3A_104] : memref<1x128xf32, #tpu.memory_space<vmem>>, vector<1x128xf32>
    %get3A_106 = arith.constant 0 : index
    %get3A_107 = arith.constant 0 : index
    %get3A_108 = vector.load %arg20[%get3A_106, %get3A_107] : memref<128x128xf32, #tpu.memory_space<vmem>>, vector<128x128xf32>
    %get3A_109 = arith.constant 0 : index
    %get3A_110 = arith.constant 0 : index
    %get3A_111 = vector.load %arg21[%get3A_109, %get3A_110] : memref<1x128xf32, #tpu.memory_space<vmem>>, vector<1x128xf32>
    %get3A_112 = arith.constant 0 : index
    %get3A_113 = arith.constant 0 : index
    %get3A_114 = vector.load %arg22[%get3A_112, %get3A_113] : memref<1x128xf32, #tpu.memory_space<vmem>>, vector<1x128xf32>
    %get3A_115 = arith.constant 0 : index
    %get3A_116 = arith.constant 0 : index
    %get3A_117 = vector.load %arg23[%get3A_115, %get3A_116] : memref<1x128xf32, #tpu.memory_space<vmem>>, vector<1x128xf32>
    %get3A_118 = arith.constant 0 : index
    %get3A_119 = arith.constant 0 : index
    %get3A_120 = vector.load %arg24[%get3A_118, %get3A_119] : memref<64x128xf32, #tpu.memory_space<vmem>>, vector<64x128xf32>
    %get3A_121 = arith.constant 0 : index
    %get3A_122 = arith.constant 0 : index
    %get3A_123 = vector.load %arg2[%get3A_121, %get3A_122] : memref<128x64xf32, #tpu.memory_space<vmem>>, vector<128x64xf32>
    %dot_general3A_124 = arith.constant dense<0.000000e+00> : vector<128x128xf32>
    %dot_general3A_125 = tpu.matmul %get3A_123, %get3A_120, %dot_general3A_124 {dimension_numbers = #tpu.dot_dimension_numbers<[1], [0], [0], [1], [0, 0, 1, 1], [], []>, transpose_lhs_hint = false} : vector<128x64xf32>, vector<64x128xf32>, vector<128x128xf32> -> vector<128x128xf32>
    %dot_general3A_126 = arith.constant dense<0.000000e+00> : vector<128x64xf32>
    %dot_general3A_127 = tpu.matmul %get3A_123, %get3A_90, %dot_general3A_126 {dimension_numbers = #tpu.dot_dimension_numbers<[1], [0], [0], [1], [0, 0, 1, 1], [], []>, transpose_lhs_hint = false} : vector<128x64xf32>, vector<64x64xf32>, vector<128x64xf32> -> vector<128x64xf32>
    %add3A_128 = vector.broadcast %get3A_93 : vector<1x64xf32> to vector<128x64xf32>
    %add3A_129 = arith.addf %dot_general3A_127, %add3A_128 : vector<128x64xf32>
    %gt3A = arith.constant 0.000000e+00 : f32
    %gt3A_130 = vector.broadcast %gt3A : f32 to vector<128x64xf32>
    %gt3A_131 = arith.cmpf ogt, %add3A_129, %gt3A_130 : vector<128x64xf32>
    %min3A = arith.constant 0.000000e+00 : f32
    %min3A_132 = vector.broadcast %min3A : f32 to vector<128x64xf32>
    %min3A_133 = arith.minimumf %add3A_129, %min3A_132 : vector<128x64xf32>
    %exp3A = math.exp %min3A_133 : vector<128x64xf32>
    %sub3A = arith.constant 1.000000e+00 : f32
    %sub3A_134 = vector.broadcast %sub3A : f32 to vector<128x64xf32>
    %sub3A_135 = arith.subf %exp3A, %sub3A_134 : vector<128x64xf32>
    %select_n3A = arith.select %gt3A_131, %add3A_129, %sub3A_135 : vector<128x64xi1>, vector<128x64xf32>
    %dot_general3A_136 = arith.constant dense<0.000000e+00> : vector<128x128xf32>
    %dot_general3A_137 = tpu.matmul %select_n3A, %get3A_96, %dot_general3A_136 {dimension_numbers = #tpu.dot_dimension_numbers<[1], [0], [0], [1], [0, 0, 1, 1], [], []>, transpose_lhs_hint = false} : vector<128x64xf32>, vector<64x128xf32>, vector<128x128xf32> -> vector<128x128xf32>
    %add3A_138 = vector.broadcast %get3A_99 : vector<1x128xf32> to vector<128x128xf32>
    %add3A_139 = arith.addf %dot_general3A_137, %add3A_138 : vector<128x128xf32>
    %dot_general3A_140 = arith.constant dense<0.000000e+00> : vector<128x128xf32>
    %dot_general3A_141 = tpu.matmul %add3A_139, %get3A_102, %dot_general3A_140 {dimension_numbers = #tpu.dot_dimension_numbers<[1], [0], [0], [1], [0, 0, 1, 1], [], []>, transpose_lhs_hint = false} : vector<128x128xf32>, vector<128x128xf32>, vector<128x128xf32> -> vector<128x128xf32>
    %add3A_142 = vector.broadcast %get3A_105 : vector<1x128xf32> to vector<128x128xf32>
    %add3A_143 = arith.addf %dot_general3A_141, %add3A_142 : vector<128x128xf32>
    %logistic3A = arith.negf %add3A_143 : vector<128x128xf32>
    %logistic3A_144 = math.exp %logistic3A : vector<128x128xf32>
    %logistic3A_145 = arith.constant 1.000000e+00 : f32
    %logistic3A_146 = vector.broadcast %logistic3A_145 : f32 to vector<128x128xf32>
    %logistic3A_147 = arith.addf %logistic3A_146, %logistic3A_144 : vector<128x128xf32>
    %logistic3A_148 = arith.divf %logistic3A_146, %logistic3A_147 : vector<128x128xf32>
    %dot_general3A_149 = arith.constant dense<0.000000e+00> : vector<128x128xf32>
    %dot_general3A_150 = tpu.matmul %add3A_139, %get3A_108, %dot_general3A_149 {dimension_numbers = #tpu.dot_dimension_numbers<[1], [0], [0], [1], [0, 0, 1, 1], [], []>, transpose_lhs_hint = false} : vector<128x128xf32>, vector<128x128xf32>, vector<128x128xf32> -> vector<128x128xf32>
    %add3A_151 = vector.broadcast %get3A_111 : vector<1x128xf32> to vector<128x128xf32>
    %add3A_152 = arith.addf %dot_general3A_150, %add3A_151 : vector<128x128xf32>
    %mul3A = arith.mulf %logistic3A_148, %add3A_152 : vector<128x128xf32>
    %add3A_153 = arith.addf %dot_general3A_125, %mul3A : vector<128x128xf32>
    %reduce_sum3A_154 = arith.constant dense<0.000000e+00> : vector<128xf32>
    %reduce_sum3A_155 = vector.multi_reduction <add>, %add3A_153, %reduce_sum3A_154 [1] : vector<128x128xf32> to vector<128xf32>
    %broadcast_in_dim3A_156 = vector.shape_cast %reduce_sum3A_155 : vector<128xf32> to vector<128x1xf32>
    %div3A_157 = arith.constant 1.280000e+02 : f32
    %div3A_158 = vector.broadcast %div3A_157 : f32 to vector<128x1xf32>
    %div3A_159 = arith.divf %broadcast_in_dim3A_156, %div3A_158 : vector<128x1xf32>
    %jit3A = arith.constant 0 : i32
    %reduce_sum3A_160 = arith.constant dense<0.000000e+00> : vector<128xf32>
    %reduce_sum3A_161 = vector.multi_reduction <add>, %add3A_153, %reduce_sum3A_160 [1] : vector<128x128xf32> to vector<128xf32>
    %broadcast_in_dim3A_162 = vector.shape_cast %reduce_sum3A_161 : vector<128xf32> to vector<128x1xf32>
    %div3A_163 = arith.constant 1.280000e+02 : f32
    %div3A_164 = vector.broadcast %div3A_163 : f32 to vector<128x1xf32>
    %div3A_165 = arith.divf %broadcast_in_dim3A_162, %div3A_164 : vector<128x1xf32>
    %sub3A_166 = vector.broadcast %div3A_165 : vector<128x1xf32> to vector<128x128xf32>
    %sub3A_167 = arith.subf %add3A_153, %sub3A_166 : vector<128x128xf32>
    %square3A = arith.mulf %sub3A_167, %sub3A_167 : vector<128x128xf32>
    %convert_element_type3A = arith.sitofp %jit3A : i32 to f32
    %sub3A_168 = arith.constant 1.280000e+02 : f32
    %sub3A_169 = arith.subf %sub3A_168, %convert_element_type3A : f32
    %reduce_sum3A_170 = arith.constant dense<0.000000e+00> : vector<128xf32>
    %reduce_sum3A_171 = vector.multi_reduction <add>, %square3A, %reduce_sum3A_170 [1] : vector<128x128xf32> to vector<128xf32>
    %broadcast_in_dim3A_172 = vector.shape_cast %reduce_sum3A_171 : vector<128xf32> to vector<128x1xf32>
    %div3A_173 = vector.broadcast %sub3A_169 : f32 to vector<128x1xf32>
    %div3A_174 = arith.divf %broadcast_in_dim3A_172, %div3A_173 : vector<128x1xf32>
    %gt3A_175 = arith.constant 0.000000e+00 : f32
    %gt3A_176 = arith.cmpf ogt, %sub3A_169, %gt3A_175 : f32
    %jit3A_177 = arith.constant 0x7FC00000 : f32
    %broadcast_in_dim3A_178 = vector.broadcast %jit3A_177 : f32 to vector<128x1xf32>
    %select_n3A_179 = arith.select %gt3A_176, %div3A_174, %broadcast_in_dim3A_178 : vector<128x1xf32>
    %sub3A_180 = vector.broadcast %div3A_159 : vector<128x1xf32> to vector<128x128xf32>
    %sub3A_181 = arith.subf %add3A_153, %sub3A_180 : vector<128x128xf32>
    %mul3A_182 = vector.broadcast %get3A_114 : vector<1x128xf32> to vector<128x128xf32>
    %mul3A_183 = arith.mulf %mul3A_182, %sub3A_181 : vector<128x128xf32>
    %add3A_184 = arith.constant 9.99999974E-6 : f32
    %add3A_185 = vector.broadcast %add3A_184 : f32 to vector<128x1xf32>
    %add3A_186 = arith.addf %select_n3A_179, %add3A_185 : vector<128x1xf32>
    %sqrt3A = math.sqrt %add3A_186 : vector<128x1xf32>
    %div3A_187 = vector.broadcast %sqrt3A : vector<128x1xf32> to vector<128x128xf32>
    %div3A_188 = arith.divf %mul3A_183, %div3A_187 : vector<128x128xf32>
    %add3A_189 = vector.broadcast %get3A_117 : vector<1x128xf32> to vector<128x128xf32>
    %add3A_190 = arith.addf %div3A_188, %add3A_189 : vector<128x128xf32>
    %get3A_191 = arith.constant 0 : index
    %get3A_192 = arith.constant 0 : index
    %get3A_193 = vector.load %arg25[%get3A_191, %get3A_192] : memref<128x64xf32, #tpu.memory_space<vmem>>, vector<128x64xf32>
    %get3A_194 = arith.constant 0 : index
    %get3A_195 = arith.constant 0 : index
    %get3A_196 = vector.load %arg26[%get3A_194, %get3A_195] : memref<1x64xf32, #tpu.memory_space<vmem>>, vector<1x64xf32>
    %get3A_197 = arith.constant 0 : index
    %get3A_198 = arith.constant 0 : index
    %get3A_199 = vector.load %arg27[%get3A_197, %get3A_198] : memref<64x128xf32, #tpu.memory_space<vmem>>, vector<64x128xf32>
    %get3A_200 = arith.constant 0 : index
    %get3A_201 = arith.constant 0 : index
    %get3A_202 = vector.load %arg28[%get3A_200, %get3A_201] : memref<1x128xf32, #tpu.memory_space<vmem>>, vector<1x128xf32>
    %get3A_203 = arith.constant 0 : index
    %get3A_204 = arith.constant 0 : index
    %get3A_205 = vector.load %arg29[%get3A_203, %get3A_204] : memref<128x128xf32, #tpu.memory_space<vmem>>, vector<128x128xf32>
    %get3A_206 = arith.constant 0 : index
    %get3A_207 = arith.constant 0 : index
    %get3A_208 = vector.load %arg30[%get3A_206, %get3A_207] : memref<1x128xf32, #tpu.memory_space<vmem>>, vector<1x128xf32>
    %get3A_209 = arith.constant 0 : index
    %get3A_210 = arith.constant 0 : index
    %get3A_211 = vector.load %arg31[%get3A_209, %get3A_210] : memref<128x128xf32, #tpu.memory_space<vmem>>, vector<128x128xf32>
    %get3A_212 = arith.constant 0 : index
    %get3A_213 = arith.constant 0 : index
    %get3A_214 = vector.load %arg32[%get3A_212, %get3A_213] : memref<1x128xf32, #tpu.memory_space<vmem>>, vector<1x128xf32>
    %get3A_215 = arith.constant 0 : index
    %get3A_216 = arith.constant 0 : index
    %get3A_217 = vector.load %arg33[%get3A_215, %get3A_216] : memref<1x128xf32, #tpu.memory_space<vmem>>, vector<1x128xf32>
    %get3A_218 = arith.constant 0 : index
    %get3A_219 = arith.constant 0 : index
    %get3A_220 = vector.load %arg34[%get3A_218, %get3A_219] : memref<1x128xf32, #tpu.memory_space<vmem>>, vector<1x128xf32>
    %dot_general3A_221 = arith.constant dense<0.000000e+00> : vector<128x64xf32>
    %dot_general3A_222 = tpu.matmul %add3A_190, %get3A_193, %dot_general3A_221 {dimension_numbers = #tpu.dot_dimension_numbers<[1], [0], [0], [1], [0, 0, 1, 1], [], []>, transpose_lhs_hint = false} : vector<128x128xf32>, vector<128x64xf32>, vector<128x64xf32> -> vector<128x64xf32>
    %add3A_223 = vector.broadcast %get3A_196 : vector<1x64xf32> to vector<128x64xf32>
    %add3A_224 = arith.addf %dot_general3A_222, %add3A_223 : vector<128x64xf32>
    %gt3A_225 = arith.constant 0.000000e+00 : f32
    %gt3A_226 = vector.broadcast %gt3A_225 : f32 to vector<128x64xf32>
    %gt3A_227 = arith.cmpf ogt, %add3A_224, %gt3A_226 : vector<128x64xf32>
    %min3A_228 = arith.constant 0.000000e+00 : f32
    %min3A_229 = vector.broadcast %min3A_228 : f32 to vector<128x64xf32>
    %min3A_230 = arith.minimumf %add3A_224, %min3A_229 : vector<128x64xf32>
    %exp3A_231 = math.exp %min3A_230 : vector<128x64xf32>
    %sub3A_232 = arith.constant 1.000000e+00 : f32
    %sub3A_233 = vector.broadcast %sub3A_232 : f32 to vector<128x64xf32>
    %sub3A_234 = arith.subf %exp3A_231, %sub3A_233 : vector<128x64xf32>
    %select_n3A_235 = arith.select %gt3A_227, %add3A_224, %sub3A_234 : vector<128x64xi1>, vector<128x64xf32>
    %dot_general3A_236 = arith.constant dense<0.000000e+00> : vector<128x128xf32>
    %dot_general3A_237 = tpu.matmul %select_n3A_235, %get3A_199, %dot_general3A_236 {dimension_numbers = #tpu.dot_dimension_numbers<[1], [0], [0], [1], [0, 0, 1, 1], [], []>, transpose_lhs_hint = false} : vector<128x64xf32>, vector<64x128xf32>, vector<128x128xf32> -> vector<128x128xf32>
    %add3A_238 = vector.broadcast %get3A_202 : vector<1x128xf32> to vector<128x128xf32>
    %add3A_239 = arith.addf %dot_general3A_237, %add3A_238 : vector<128x128xf32>
    %dot_general3A_240 = arith.constant dense<0.000000e+00> : vector<128x128xf32>
    %dot_general3A_241 = tpu.matmul %add3A_239, %get3A_205, %dot_general3A_240 {dimension_numbers = #tpu.dot_dimension_numbers<[1], [0], [0], [1], [0, 0, 1, 1], [], []>, transpose_lhs_hint = false} : vector<128x128xf32>, vector<128x128xf32>, vector<128x128xf32> -> vector<128x128xf32>
    %add3A_242 = vector.broadcast %get3A_208 : vector<1x128xf32> to vector<128x128xf32>
    %add3A_243 = arith.addf %dot_general3A_241, %add3A_242 : vector<128x128xf32>
    %logistic3A_244 = arith.negf %add3A_243 : vector<128x128xf32>
    %logistic3A_245 = math.exp %logistic3A_244 : vector<128x128xf32>
    %logistic3A_246 = arith.constant 1.000000e+00 : f32
    %logistic3A_247 = vector.broadcast %logistic3A_246 : f32 to vector<128x128xf32>
    %logistic3A_248 = arith.addf %logistic3A_247, %logistic3A_245 : vector<128x128xf32>
    %logistic3A_249 = arith.divf %logistic3A_247, %logistic3A_248 : vector<128x128xf32>
    %dot_general3A_250 = arith.constant dense<0.000000e+00> : vector<128x128xf32>
    %dot_general3A_251 = tpu.matmul %add3A_239, %get3A_211, %dot_general3A_250 {dimension_numbers = #tpu.dot_dimension_numbers<[1], [0], [0], [1], [0, 0, 1, 1], [], []>, transpose_lhs_hint = false} : vector<128x128xf32>, vector<128x128xf32>, vector<128x128xf32> -> vector<128x128xf32>
    %add3A_252 = vector.broadcast %get3A_214 : vector<1x128xf32> to vector<128x128xf32>
    %add3A_253 = arith.addf %dot_general3A_251, %add3A_252 : vector<128x128xf32>
    %mul3A_254 = arith.mulf %logistic3A_249, %add3A_253 : vector<128x128xf32>
    %add3A_255 = arith.addf %add3A_190, %mul3A_254 : vector<128x128xf32>
    %reduce_sum3A_256 = arith.constant dense<0.000000e+00> : vector<128xf32>
    %reduce_sum3A_257 = vector.multi_reduction <add>, %add3A_255, %reduce_sum3A_256 [1] : vector<128x128xf32> to vector<128xf32>
    %broadcast_in_dim3A_258 = vector.shape_cast %reduce_sum3A_257 : vector<128xf32> to vector<128x1xf32>
    %div3A_259 = arith.constant 1.280000e+02 : f32
    %div3A_260 = vector.broadcast %div3A_259 : f32 to vector<128x1xf32>
    %div3A_261 = arith.divf %broadcast_in_dim3A_258, %div3A_260 : vector<128x1xf32>
    %jit3A_262 = arith.constant 0 : i32
    %reduce_sum3A_263 = arith.constant dense<0.000000e+00> : vector<128xf32>
    %reduce_sum3A_264 = vector.multi_reduction <add>, %add3A_255, %reduce_sum3A_263 [1] : vector<128x128xf32> to vector<128xf32>
    %broadcast_in_dim3A_265 = vector.shape_cast %reduce_sum3A_264 : vector<128xf32> to vector<128x1xf32>
    %div3A_266 = arith.constant 1.280000e+02 : f32
    %div3A_267 = vector.broadcast %div3A_266 : f32 to vector<128x1xf32>
    %div3A_268 = arith.divf %broadcast_in_dim3A_265, %div3A_267 : vector<128x1xf32>
    %sub3A_269 = vector.broadcast %div3A_268 : vector<128x1xf32> to vector<128x128xf32>
    %sub3A_270 = arith.subf %add3A_255, %sub3A_269 : vector<128x128xf32>
    %square3A_271 = arith.mulf %sub3A_270, %sub3A_270 : vector<128x128xf32>
    %convert_element_type3A_272 = arith.sitofp %jit3A_262 : i32 to f32
    %sub3A_273 = arith.constant 1.280000e+02 : f32
    %sub3A_274 = arith.subf %sub3A_273, %convert_element_type3A_272 : f32
    %reduce_sum3A_275 = arith.constant dense<0.000000e+00> : vector<128xf32>
    %reduce_sum3A_276 = vector.multi_reduction <add>, %square3A_271, %reduce_sum3A_275 [1] : vector<128x128xf32> to vector<128xf32>
    %broadcast_in_dim3A_277 = vector.shape_cast %reduce_sum3A_276 : vector<128xf32> to vector<128x1xf32>
    %div3A_278 = vector.broadcast %sub3A_274 : f32 to vector<128x1xf32>
    %div3A_279 = arith.divf %broadcast_in_dim3A_277, %div3A_278 : vector<128x1xf32>
    %gt3A_280 = arith.constant 0.000000e+00 : f32
    %gt3A_281 = arith.cmpf ogt, %sub3A_274, %gt3A_280 : f32
    %jit3A_282 = arith.constant 0x7FC00000 : f32
    %broadcast_in_dim3A_283 = vector.broadcast %jit3A_282 : f32 to vector<128x1xf32>
    %select_n3A_284 = arith.select %gt3A_281, %div3A_279, %broadcast_in_dim3A_283 : vector<128x1xf32>
    %sub3A_285 = vector.broadcast %div3A_261 : vector<128x1xf32> to vector<128x128xf32>
    %sub3A_286 = arith.subf %add3A_255, %sub3A_285 : vector<128x128xf32>
    %mul3A_287 = vector.broadcast %get3A_217 : vector<1x128xf32> to vector<128x128xf32>
    %mul3A_288 = arith.mulf %mul3A_287, %sub3A_286 : vector<128x128xf32>
    %add3A_289 = arith.constant 9.99999974E-6 : f32
    %add3A_290 = vector.broadcast %add3A_289 : f32 to vector<128x1xf32>
    %add3A_291 = arith.addf %select_n3A_284, %add3A_290 : vector<128x1xf32>
    %sqrt3A_292 = math.sqrt %add3A_291 : vector<128x1xf32>
    %div3A_293 = vector.broadcast %sqrt3A_292 : vector<128x1xf32> to vector<128x128xf32>
    %div3A_294 = arith.divf %mul3A_288, %div3A_293 : vector<128x128xf32>
    %add3A_295 = vector.broadcast %get3A_220 : vector<1x128xf32> to vector<128x128xf32>
    %add3A_296 = arith.addf %div3A_294, %add3A_295 : vector<128x128xf32>
    %add3A_297 = arith.addf %squeeze3A, %add3A_296 : vector<128x128xf32>
    %add3A_298 = arith.addf %div3A_87, %add3A_190 : vector<128x128xf32>
    %mul3A_299 = arith.mulf %add3A_297, %add3A_297 : vector<128x128xf32>
    %reduce_sum3A_300 = arith.constant dense<0.000000e+00> : vector<128xf32>
    %reduce_sum3A_301 = vector.multi_reduction <add>, %mul3A_299, %reduce_sum3A_300 [1] : vector<128x128xf32> to vector<128xf32>
    %broadcast_in_dim3A_302 = vector.shape_cast %reduce_sum3A_301 : vector<128xf32> to vector<128x1xf32>
    %sqrt3A_303 = math.sqrt %broadcast_in_dim3A_302 : vector<128x1xf32>
    %add3A_304 = arith.constant 9.99999993E-9 : f32
    %add3A_305 = vector.broadcast %add3A_304 : f32 to vector<128x1xf32>
    %add3A_306 = arith.addf %sqrt3A_303, %add3A_305 : vector<128x1xf32>
    %div3A_307 = vector.broadcast %add3A_306 : vector<128x1xf32> to vector<128x128xf32>
    %div3A_308 = arith.divf %add3A_297, %div3A_307 : vector<128x128xf32>
    %swap3A = arith.constant 0 : index
    %swap3A_309 = arith.constant 0 : index
    %swap3A_310 = vector.load %arg37[%swap3A, %swap3A_309] : memref<128x128xf32, #tpu.memory_space<vmem>>, vector<128x128xf32>
    tpu.vector_store %arg37[%swap3A, %swap3A_309], %div3A_308 {strides = array<i32>} : memref<128x128xf32, #tpu.memory_space<vmem>>, vector<128x128xf32>,
    %swap3A_311 = arith.constant 0 : index
    %swap3A_312 = arith.constant 0 : index
    %swap3A_313 = vector.load %arg35[%swap3A_311, %swap3A_312] : memref<128x128xf32, #tpu.memory_space<vmem>>, vector<128x128xf32>
    tpu.vector_store %arg35[%swap3A_311, %swap3A_312], %add3A_297 {strides = array<i32>} : memref<128x128xf32, #tpu.memory_space<vmem>>, vector<128x128xf32>,
    %swap3A_314 = arith.constant 0 : index
    %swap3A_315 = arith.constant 0 : index
    %swap3A_316 = vector.load %arg36[%swap3A_314, %swap3A_315] : memref<128x128xf32, #tpu.memory_space<vmem>>, vector<128x128xf32>
    tpu.vector_store %arg36[%swap3A_314, %swap3A_315], %add3A_298 {strides = array<i32>} : memref<128x128xf32, #tpu.memory_space<vmem>>, vector<128x128xf32>,
    %get3A_317 = arith.constant 0 : index
    %get3A_318 = arith.constant 0 : index
    %get3A_319 = vector.load %arg5[%get3A_317, %get3A_318] : memref<1x1xf32, #tpu.memory_space<vmem>>, vector<1x1xf32>
    %custom_jvp_call3A = arith.constant 0.000000e+00 : f32
    %max3A_320 = vector.broadcast %custom_jvp_call3A : f32 to vector<1x1xf32>
    %max3A_321 = arith.maximumf %get3A_319, %max3A_320 : vector<1x1xf32>
    %sub3A_322 = vector.broadcast %custom_jvp_call3A : f32 to vector<1x1xf32>
    %sub3A_323 = arith.subf %get3A_319, %sub3A_322 : vector<1x1xf32>
    %ne3A = arith.cmpf one, %sub3A_323, %sub3A_323 : vector<1x1xf32>
    %add3A_324 = vector.broadcast %custom_jvp_call3A : f32 to vector<1x1xf32>
    %add3A_325 = arith.addf %get3A_319, %add3A_324 : vector<1x1xf32>
    %abs3A = math.absf %sub3A_323 : vector<1x1xf32>
    %neg3A = arith.constant 0.000000e+00 : f32
    %neg3A_326 = vector.broadcast %neg3A : f32 to vector<1x1xf32>
    %neg3A_327 = arith.subf %neg3A_326, %abs3A : vector<1x1xf32>
    %exp3A_328 = math.exp %neg3A_327 : vector<1x1xf32>
    %log1p3A = math.log1p %exp3A_328 : vector<1x1xf32>
    %add3A_329 = arith.addf %max3A_321, %log1p3A : vector<1x1xf32>
    %select_n3A_330 = arith.select %ne3A, %add3A_325, %add3A_329 : vector<1x1xi1>, vector<1x1xf32>
    %swap3A_331 = arith.constant 0 : index
    %swap3A_332 = arith.constant 0 : index
    %swap3A_333 = vector.load %arg39[%swap3A_331, %swap3A_332] : memref<1x1xf32, #tpu.memory_space<vmem>>, vector<1x1xf32>
    tpu.vector_store %arg39[%swap3A_331, %swap3A_332], %select_n3A_330 {strides = array<i32>} : memref<1x1xf32, #tpu.memory_space<vmem>>, vector<1x1xf32>,
    %squeeze3A_334 = vector.extract %select_n3A_330[0, 0] : f32 from vector<1x1xf32>
    %neg3A_335 = arith.constant 0.000000e+00 : f32
    %neg3A_336 = arith.subf %neg3A_335, %squeeze3A_334 : f32
    %get3A_337 = arith.constant 0 : index
    %get3A_338 = arith.constant 0 : index
    %get3A_339 = vector.load %arg4[%get3A_337, %get3A_338] : memref<128x50xf32, #tpu.memory_space<vmem>>, vector<128x50xf32>
    %mul3A_340 = vector.broadcast %neg3A_336 : f32 to vector<128x50xf32>
    %mul3A_341 = arith.mulf %mul3A_340, %get3A_339 : vector<128x50xf32>
    %exp3A_342 = math.exp %mul3A_341 : vector<128x50xf32>
    %get3A_343 = arith.constant 0 : index
    %get3A_344 = arith.constant 0 : index
    %get3A_345 = vector.load %arg3[%get3A_343, %get3A_344] : memref<128x50xf32, #tpu.memory_space<vmem>>, vector<128x50xf32>
    %mul3A_346 = arith.mulf %get3A_345, %exp3A_342 : vector<128x50xf32>
    %reduce_sum3A_347 = arith.constant dense<0.000000e+00> : vector<128xf32>
    %reduce_sum3A_348 = vector.multi_reduction <add>, %mul3A_346, %reduce_sum3A_347 [1] : vector<128x50xf32> to vector<128xf32>
    %broadcast_in_dim3A_349 = vector.shape_cast %reduce_sum3A_348 : vector<128xf32> to vector<128x1xf32>
    %swap3A_350 = arith.constant 0 : index
    %swap3A_351 = arith.constant 0 : index
    %swap3A_352 = vector.load %arg38[%swap3A_350, %swap3A_351] : memref<128x1xf32, #tpu.memory_space<vmem>>, vector<128x1xf32>
    tpu.vector_store %arg38[%swap3A_350, %swap3A_351], %broadcast_in_dim3A_349 {strides = array<i32>} : memref<128x1xf32, #tpu.memory_space<vmem>>, vector<128x1xf32>,
    return
  }
  func.func @transform_0(%arg0: i32) -> (i32, i32, i32) {
    %c0_i32 = arith.constant 0 : i32
    %c0_i32_0 = arith.constant 0 : i32
    %c0_i32_1 = arith.constant 0 : i32
    return %arg0, %c0_i32, %c0_i32_0 : i32, i32, i32
  }
  func.func @transform_1(%arg0: i32) -> (i32, i32) {
    %c0_i32 = arith.constant 0 : i32
    %c0_i32_0 = arith.constant 0 : i32
    return %arg0, %c0_i32 : i32, i32
  }
  func.func @transform_2(%arg0: i32) -> (i32, i32) {
    %c0_i32 = arith.constant 0 : i32
    %c0_i32_0 = arith.constant 0 : i32
    return %arg0, %c0_i32 : i32, i32
  }
  func.func @transform_3(%arg0: i32) -> (i32, i32) {
    %c0_i32 = arith.constant 0 : i32
    %c0_i32_0 = arith.constant 0 : i32
    return %arg0, %c0_i32 : i32, i32
  }
  func.func @transform_4(%arg0: i32) -> (i32, i32) {
    %c0_i32 = arith.constant 0 : i32
    %c0_i32_0 = arith.constant 0 : i32
    %c0_i32_1 = arith.constant 0 : i32
    return %c0_i32, %c0_i32_0 : i32, i32
  }
  func.func @transform_5(%arg0: i32) -> (i32, i32) {
    %c0_i32 = arith.constant 0 : i32
    %c0_i32_0 = arith.constant 0 : i32
    %c0_i32_1 = arith.constant 0 : i32
    return %c0_i32, %c0_i32_0 : i32, i32
  }
  func.func @transform_6(%arg0: i32) -> (i32, i32) {
    %c0_i32 = arith.constant 0 : i32
    %c0_i32_0 = arith.constant 0 : i32
    %c0_i32_1 = arith.constant 0 : i32
    return %c0_i32, %c0_i32_0 : i32, i32
  }
  func.func @transform_7(%arg0: i32) -> (i32, i32) {
    %c0_i32 = arith.constant 0 : i32
    %c0_i32_0 = arith.constant 0 : i32
    %c0_i32_1 = arith.constant 0 : i32
    return %c0_i32, %c0_i32_0 : i32, i32
  }
  func.func @transform_8(%arg0: i32) -> (i32, i32) {
    %c0_i32 = arith.constant 0 : i32
    %c0_i32_0 = arith.constant 0 : i32
    %c0_i32_1 = arith.constant 0 : i32
    return %c0_i32, %c0_i32_0 : i32, i32
  }
  func.func @transform_9(%arg0: i32) -> (i32, i32) {
    %c0_i32 = arith.constant 0 : i32
    %c0_i32_0 = arith.constant 0 : i32
    %c0_i32_1 = arith.constant 0 : i32
    return %c0_i32, %c0_i32_0 : i32, i32
  }
  func.func @transform_10(%arg0: i32) -> (i32, i32) {
    %c0_i32 = arith.constant 0 : i32
    %c0_i32_0 = arith.constant 0 : i32
    %c0_i32_1 = arith.constant 0 : i32
    return %c0_i32, %c0_i32_0 : i32, i32
  }
  func.func @transform_11(%arg0: i32) -> (i32, i32) {
    %c0_i32 = arith.constant 0 : i32
    %c0_i32_0 = arith.constant 0 : i32
    %c0_i32_1 = arith.constant 0 : i32
    return %c0_i32, %c0_i32_0 : i32, i32
  }
  func.func @transform_12(%arg0: i32) -> (i32, i32) {
    %c0_i32 = arith.constant 0 : i32
    %c0_i32_0 = arith.constant 0 : i32
    %c0_i32_1 = arith.constant 0 : i32
    return %c0_i32, %c0_i32_0 : i32, i32
  }
  func.func @transform_13(%arg0: i32) -> (i32, i32) {
    %c0_i32 = arith.constant 0 : i32
    %c0_i32_0 = arith.constant 0 : i32
    %c0_i32_1 = arith.constant 0 : i32
    return %c0_i32, %c0_i32_0 : i32, i32
  }
  func.func @transform_14(%arg0: i32) -> (i32, i32) {
    %c0_i32 = arith.constant 0 : i32
    %c0_i32_0 = arith.constant 0 : i32
    %c0_i32_1 = arith.constant 0 : i32
    return %c0_i32, %c0_i32_0 : i32, i32
  }
  func.func @transform_15(%arg0: i32) -> (i32, i32) {
    %c0_i32 = arith.constant 0 : i32
    %c0_i32_0 = arith.constant 0 : i32
    %c0_i32_1 = arith.constant 0 : i32
    return %c0_i32, %c0_i32_0 : i32, i32
  }
  func.func @transform_16(%arg0: i32) -> (i32, i32) {
    %c0_i32 = arith.constant 0 : i32
    %c0_i32_0 = arith.constant 0 : i32
    %c0_i32_1 = arith.constant 0 : i32
    return %c0_i32, %c0_i32_0 : i32, i32
  }
  func.func @transform_17(%arg0: i32) -> (i32, i32) {
    %c0_i32 = arith.constant 0 : i32
    %c0_i32_0 = arith.constant 0 : i32
    %c0_i32_1 = arith.constant 0 : i32
    return %c0_i32, %c0_i32_0 : i32, i32
  }
  func.func @transform_18(%arg0: i32) -> (i32, i32) {
    %c0_i32 = arith.constant 0 : i32
    %c0_i32_0 = arith.constant 0 : i32
    %c0_i32_1 = arith.constant 0 : i32
    return %c0_i32, %c0_i32_0 : i32, i32
  }
  func.func @transform_19(%arg0: i32) -> (i32, i32) {
    %c0_i32 = arith.constant 0 : i32
    %c0_i32_0 = arith.constant 0 : i32
    %c0_i32_1 = arith.constant 0 : i32
    return %c0_i32, %c0_i32_0 : i32, i32
  }
  func.func @transform_20(%arg0: i32) -> (i32, i32) {
    %c0_i32 = arith.constant 0 : i32
    %c0_i32_0 = arith.constant 0 : i32
    %c0_i32_1 = arith.constant 0 : i32
    return %c0_i32, %c0_i32_0 : i32, i32
  }
  func.func @transform_21(%arg0: i32) -> (i32, i32) {
    %c0_i32 = arith.constant 0 : i32
    %c0_i32_0 = arith.constant 0 : i32
    %c0_i32_1 = arith.constant 0 : i32
    return %c0_i32, %c0_i32_0 : i32, i32
  }
  func.func @transform_22(%arg0: i32) -> (i32, i32) {
    %c0_i32 = arith.constant 0 : i32
    %c0_i32_0 = arith.constant 0 : i32
    %c0_i32_1 = arith.constant 0 : i32
    return %c0_i32, %c0_i32_0 : i32, i32
  }
  func.func @transform_23(%arg0: i32) -> (i32, i32) {
    %c0_i32 = arith.constant 0 : i32
    %c0_i32_0 = arith.constant 0 : i32
    %c0_i32_1 = arith.constant 0 : i32
    return %c0_i32, %c0_i32_0 : i32, i32
  }
  func.func @transform_24(%arg0: i32) -> (i32, i32) {
    %c0_i32 = arith.constant 0 : i32
    %c0_i32_0 = arith.constant 0 : i32
    %c0_i32_1 = arith.constant 0 : i32
    return %c0_i32, %c0_i32_0 : i32, i32
  }
  func.func @transform_25(%arg0: i32) -> (i32, i32) {
    %c0_i32 = arith.constant 0 : i32
    %c0_i32_0 = arith.constant 0 : i32
    %c0_i32_1 = arith.constant 0 : i32
    return %c0_i32, %c0_i32_0 : i32, i32
  }
  func.func @transform_26(%arg0: i32) -> (i32, i32) {
    %c0_i32 = arith.constant 0 : i32
    %c0_i32_0 = arith.constant 0 : i32
    %c0_i32_1 = arith.constant 0 : i32
    return %c0_i32, %c0_i32_0 : i32, i32
  }
  func.func @transform_27(%arg0: i32) -> (i32, i32) {
    %c0_i32 = arith.constant 0 : i32
    %c0_i32_0 = arith.constant 0 : i32
    %c0_i32_1 = arith.constant 0 : i32
    return %c0_i32, %c0_i32_0 : i32, i32
  }
  func.func @transform_28(%arg0: i32) -> (i32, i32) {
    %c0_i32 = arith.constant 0 : i32
    %c0_i32_0 = arith.constant 0 : i32
    %c0_i32_1 = arith.constant 0 : i32
    return %c0_i32, %c0_i32_0 : i32, i32
  }
  func.func @transform_29(%arg0: i32) -> (i32, i32) {
    %c0_i32 = arith.constant 0 : i32
    %c0_i32_0 = arith.constant 0 : i32
    %c0_i32_1 = arith.constant 0 : i32
    return %c0_i32, %c0_i32_0 : i32, i32
  }
  func.func @transform_30(%arg0: i32) -> (i32, i32) {
    %c0_i32 = arith.constant 0 : i32
    %c0_i32_0 = arith.constant 0 : i32
    %c0_i32_1 = arith.constant 0 : i32
    return %c0_i32, %c0_i32_0 : i32, i32
  }
  func.func @transform_31(%arg0: i32) -> (i32, i32) {
    %c0_i32 = arith.constant 0 : i32
    %c0_i32_0 = arith.constant 0 : i32
    %c0_i32_1 = arith.constant 0 : i32
    return %c0_i32, %c0_i32_0 : i32, i32
  }
  func.func @transform_32(%arg0: i32) -> (i32, i32) {
    %c0_i32 = arith.constant 0 : i32
    %c0_i32_0 = arith.constant 0 : i32
    %c0_i32_1 = arith.constant 0 : i32
    return %c0_i32, %c0_i32_0 : i32, i32
  }
  func.func @transform_33(%arg0: i32) -> (i32, i32) {
    %c0_i32 = arith.constant 0 : i32
    %c0_i32_0 = arith.constant 0 : i32
    %c0_i32_1 = arith.constant 0 : i32
    return %c0_i32, %c0_i32_0 : i32, i32
  }
  func.func @transform_34(%arg0: i32) -> (i32, i32) {
    %c0_i32 = arith.constant 0 : i32
    %c0_i32_0 = arith.constant 0 : i32
    return %arg0, %c0_i32 : i32, i32
  }
  func.func @transform_35(%arg0: i32) -> (i32, i32) {
    %c0_i32 = arith.constant 0 : i32
    %c0_i32_0 = arith.constant 0 : i32
    return %arg0, %c0_i32 : i32, i32
  }
  func.func @transform_36(%arg0: i32) -> (i32, i32) {
    %c0_i32 = arith.constant 0 : i32
    %c0_i32_0 = arith.constant 0 : i32
    return %arg0, %c0_i32 : i32, i32
  }
  func.func @transform_37(%arg0: i32) -> (i32, i32) {
    %c0_i32 = arith.constant 0 : i32
    %c0_i32_0 = arith.constant 0 : i32
    return %arg0, %c0_i32 : i32, i32
  }
  func.func @transform_38(%arg0: i32) -> (i32, i32) {
    %c0_i32 = arith.constant 0 : i32
    %c0_i32_0 = arith.constant 0 : i32
    %c0_i32_1 = arith.constant 0 : i32
    return %c0_i32, %c0_i32_0 : i32, i32
  }
}

module attributes {stable_mosaic.version = 14 : i64} {
  func.func @_topk_body(%arg0: i32, %arg1: memref<1024x128xf32, #tpu.memory_space<vmem>>, %arg2: memref<2000x128xf32, #tpu.memory_space<vmem>>, %arg3: memref<1024x5xf32, #tpu.memory_space<vmem>>, %arg4: memref<1024x5xi32, #tpu.memory_space<vmem>>, %arg5: memref<1024x5xf32, #tpu.memory_space<vmem>>, %arg6: memref<1024x5xf32, #tpu.memory_space<vmem>>) attributes {dimension_semantics = [#tpu.dimension_semantics<arbitrary>], iteration_bounds = array<i64: 50>, scalar_prefetch = 0 : i64, scratch_operands = 2 : i64, tpu.core_type = #tpu.core_type<tc>, window_params = [{pipeline_mode = #tpu.pipeline_mode<synchronous>, transform_indices = @transform_0, window_bounds = array<i64: 1024, 128>}, {transform_indices = @transform_1, window_bounds = array<i64: 2000, 128>}, {pipeline_mode = #tpu.pipeline_mode<synchronous>, transform_indices = @transform_2, window_bounds = array<i64: 1024, 5>}, {pipeline_mode = #tpu.pipeline_mode<synchronous>, transform_indices = @transform_3, window_bounds = array<i64: 1024, 5>}]} {
    %get3A = arith.constant 0 : index
    %get3A_0 = arith.constant 0 : index
    %get3A_1 = vector.load %arg2[%get3A, %get3A_0] : memref<2000x128xf32, #tpu.memory_space<vmem>>, vector<2000x128xf32>
    %mul3A = arith.mulf %get3A_1, %get3A_1 : vector<2000x128xf32>
    %reduce_sum3A = arith.constant dense<0.000000e+00> : vector<2000xf32>
    %reduce_sum3A_2 = vector.multi_reduction <add>, %mul3A, %reduce_sum3A [1] : vector<2000x128xf32> to vector<2000xf32>
    %broadcast_in_dim3A = vector.shape_cast %reduce_sum3A_2 : vector<2000xf32> to vector<2000x1xf32>
    %sqrt3A = math.sqrt %broadcast_in_dim3A : vector<2000x1xf32>
    %add3A = arith.constant 9.99999993E-9 : f32
    %add3A_3 = vector.broadcast %add3A : f32 to vector<2000x1xf32>
    %add3A_4 = arith.addf %sqrt3A, %add3A_3 : vector<2000x1xf32>
    %div3A = vector.broadcast %add3A_4 : vector<2000x1xf32> to vector<2000x128xf32>
    %div3A_5 = arith.divf %get3A_1, %div3A : vector<2000x128xf32>
    %get3A_6 = arith.constant 0 : index
    %get3A_7 = arith.constant 0 : index
    %get3A_8 = vector.load %arg1[%get3A_6, %get3A_7] : memref<1024x128xf32, #tpu.memory_space<vmem>>, vector<1024x128xf32>
    %dot_general3A = arith.constant dense<0.000000e+00> : vector<1024x2000xf32>
    %dot_general3A_9 = tpu.matmul %get3A_8, %div3A_5, %dot_general3A {dimension_numbers = #tpu.dot_dimension_numbers<[1], [1], [0], [0], [0, 0, 1, 0], [], []>, transpose_lhs_hint = false} : vector<1024x128xf32>, vector<2000x128xf32>, vector<1024x2000xf32> -> vector<1024x2000xf32>
    %iota3A = tpu.iota {dimensions = array<i32: 1>} : vector<1024x2000xi32>
    %convert_element_type3A = arith.sitofp %iota3A : vector<1024x2000xi32> to vector<1024x2000xf32>
    %mul3A_10 = arith.constant 2000 : i32
    %mul3A_11 = arith.muli %arg0, %mul3A_10 : i32
    %convert_element_type3A_12 = arith.sitofp %mul3A_11 : i32 to f32
    %reduce_max3A = arith.constant dense<0xFF800000> : vector<1024xf32>
    %reduce_max3A_13 = vector.multi_reduction <maximumf>, %dot_general3A_9, %reduce_max3A [1] : vector<1024x2000xf32> to vector<1024xf32>
    %broadcast_in_dim3A_14 = vector.shape_cast %reduce_max3A_13 : vector<1024xf32> to vector<1024x1xf32>
    %eq3A = vector.broadcast %broadcast_in_dim3A_14 : vector<1024x1xf32> to vector<1024x2000xf32>
    %eq3A_15 = arith.cmpf oeq, %dot_general3A_9, %eq3A : vector<1024x2000xf32>
    %jit3A = arith.constant 2.000000e+03 : f32
    %broadcast_in_dim3A_16 = vector.broadcast %jit3A : f32 to vector<1024x2000xf32>
    %select_n3A = arith.select %eq3A_15, %convert_element_type3A, %broadcast_in_dim3A_16 : vector<1024x2000xi1>, vector<1024x2000xf32>
    %reduce_min3A = arith.constant dense<0x7F800000> : vector<1024xf32>
    %reduce_min3A_17 = vector.multi_reduction <minimumf>, %select_n3A, %reduce_min3A [1] : vector<1024x2000xf32> to vector<1024xf32>
    %broadcast_in_dim3A_18 = vector.shape_cast %reduce_min3A_17 : vector<1024xf32> to vector<1024x1xf32>
    %add3A_19 = vector.broadcast %convert_element_type3A_12 : f32 to vector<1024x1xf32>
    %add3A_20 = arith.addf %broadcast_in_dim3A_18, %add3A_19 : vector<1024x1xf32>
    %eq3A_21 = vector.broadcast %broadcast_in_dim3A_18 : vector<1024x1xf32> to vector<1024x2000xf32>
    %eq3A_22 = arith.cmpf oeq, %convert_element_type3A, %eq3A_21 : vector<1024x2000xf32>
    %jit3A_23 = arith.constant 0xFF800000 : f32
    %broadcast_in_dim3A_24 = vector.broadcast %jit3A_23 : f32 to vector<1024x2000xf32>
    %select_n3A_25 = arith.select %eq3A_22, %broadcast_in_dim3A_24, %dot_general3A_9 : vector<1024x2000xi1>, vector<1024x2000xf32>
    %reduce_max3A_26 = arith.constant dense<0xFF800000> : vector<1024xf32>
    %reduce_max3A_27 = vector.multi_reduction <maximumf>, %select_n3A_25, %reduce_max3A_26 [1] : vector<1024x2000xf32> to vector<1024xf32>
    %broadcast_in_dim3A_28 = vector.shape_cast %reduce_max3A_27 : vector<1024xf32> to vector<1024x1xf32>
    %eq3A_29 = vector.broadcast %broadcast_in_dim3A_28 : vector<1024x1xf32> to vector<1024x2000xf32>
    %eq3A_30 = arith.cmpf oeq, %select_n3A_25, %eq3A_29 : vector<1024x2000xf32>
    %jit3A_31 = arith.constant 2.000000e+03 : f32
    %broadcast_in_dim3A_32 = vector.broadcast %jit3A_31 : f32 to vector<1024x2000xf32>
    %select_n3A_33 = arith.select %eq3A_30, %convert_element_type3A, %broadcast_in_dim3A_32 : vector<1024x2000xi1>, vector<1024x2000xf32>
    %reduce_min3A_34 = arith.constant dense<0x7F800000> : vector<1024xf32>
    %reduce_min3A_35 = vector.multi_reduction <minimumf>, %select_n3A_33, %reduce_min3A_34 [1] : vector<1024x2000xf32> to vector<1024xf32>
    %broadcast_in_dim3A_36 = vector.shape_cast %reduce_min3A_35 : vector<1024xf32> to vector<1024x1xf32>
    %add3A_37 = vector.broadcast %convert_element_type3A_12 : f32 to vector<1024x1xf32>
    %add3A_38 = arith.addf %broadcast_in_dim3A_36, %add3A_37 : vector<1024x1xf32>
    %eq3A_39 = vector.broadcast %broadcast_in_dim3A_36 : vector<1024x1xf32> to vector<1024x2000xf32>
    %eq3A_40 = arith.cmpf oeq, %convert_element_type3A, %eq3A_39 : vector<1024x2000xf32>
    %jit3A_41 = arith.constant 0xFF800000 : f32
    %broadcast_in_dim3A_42 = vector.broadcast %jit3A_41 : f32 to vector<1024x2000xf32>
    %select_n3A_43 = arith.select %eq3A_40, %broadcast_in_dim3A_42, %select_n3A_25 : vector<1024x2000xi1>, vector<1024x2000xf32>
    %reduce_max3A_44 = arith.constant dense<0xFF800000> : vector<1024xf32>
    %reduce_max3A_45 = vector.multi_reduction <maximumf>, %select_n3A_43, %reduce_max3A_44 [1] : vector<1024x2000xf32> to vector<1024xf32>
    %broadcast_in_dim3A_46 = vector.shape_cast %reduce_max3A_45 : vector<1024xf32> to vector<1024x1xf32>
    %eq3A_47 = vector.broadcast %broadcast_in_dim3A_46 : vector<1024x1xf32> to vector<1024x2000xf32>
    %eq3A_48 = arith.cmpf oeq, %select_n3A_43, %eq3A_47 : vector<1024x2000xf32>
    %jit3A_49 = arith.constant 2.000000e+03 : f32
    %broadcast_in_dim3A_50 = vector.broadcast %jit3A_49 : f32 to vector<1024x2000xf32>
    %select_n3A_51 = arith.select %eq3A_48, %convert_element_type3A, %broadcast_in_dim3A_50 : vector<1024x2000xi1>, vector<1024x2000xf32>
    %reduce_min3A_52 = arith.constant dense<0x7F800000> : vector<1024xf32>
    %reduce_min3A_53 = vector.multi_reduction <minimumf>, %select_n3A_51, %reduce_min3A_52 [1] : vector<1024x2000xf32> to vector<1024xf32>
    %broadcast_in_dim3A_54 = vector.shape_cast %reduce_min3A_53 : vector<1024xf32> to vector<1024x1xf32>
    %add3A_55 = vector.broadcast %convert_element_type3A_12 : f32 to vector<1024x1xf32>
    %add3A_56 = arith.addf %broadcast_in_dim3A_54, %add3A_55 : vector<1024x1xf32>
    %eq3A_57 = vector.broadcast %broadcast_in_dim3A_54 : vector<1024x1xf32> to vector<1024x2000xf32>
    %eq3A_58 = arith.cmpf oeq, %convert_element_type3A, %eq3A_57 : vector<1024x2000xf32>
    %jit3A_59 = arith.constant 0xFF800000 : f32
    %broadcast_in_dim3A_60 = vector.broadcast %jit3A_59 : f32 to vector<1024x2000xf32>
    %select_n3A_61 = arith.select %eq3A_58, %broadcast_in_dim3A_60, %select_n3A_43 : vector<1024x2000xi1>, vector<1024x2000xf32>
    %reduce_max3A_62 = arith.constant dense<0xFF800000> : vector<1024xf32>
    %reduce_max3A_63 = vector.multi_reduction <maximumf>, %select_n3A_61, %reduce_max3A_62 [1] : vector<1024x2000xf32> to vector<1024xf32>
    %broadcast_in_dim3A_64 = vector.shape_cast %reduce_max3A_63 : vector<1024xf32> to vector<1024x1xf32>
    %eq3A_65 = vector.broadcast %broadcast_in_dim3A_64 : vector<1024x1xf32> to vector<1024x2000xf32>
    %eq3A_66 = arith.cmpf oeq, %select_n3A_61, %eq3A_65 : vector<1024x2000xf32>
    %jit3A_67 = arith.constant 2.000000e+03 : f32
    %broadcast_in_dim3A_68 = vector.broadcast %jit3A_67 : f32 to vector<1024x2000xf32>
    %select_n3A_69 = arith.select %eq3A_66, %convert_element_type3A, %broadcast_in_dim3A_68 : vector<1024x2000xi1>, vector<1024x2000xf32>
    %reduce_min3A_70 = arith.constant dense<0x7F800000> : vector<1024xf32>
    %reduce_min3A_71 = vector.multi_reduction <minimumf>, %select_n3A_69, %reduce_min3A_70 [1] : vector<1024x2000xf32> to vector<1024xf32>
    %broadcast_in_dim3A_72 = vector.shape_cast %reduce_min3A_71 : vector<1024xf32> to vector<1024x1xf32>
    %add3A_73 = vector.broadcast %convert_element_type3A_12 : f32 to vector<1024x1xf32>
    %add3A_74 = arith.addf %broadcast_in_dim3A_72, %add3A_73 : vector<1024x1xf32>
    %eq3A_75 = vector.broadcast %broadcast_in_dim3A_72 : vector<1024x1xf32> to vector<1024x2000xf32>
    %eq3A_76 = arith.cmpf oeq, %convert_element_type3A, %eq3A_75 : vector<1024x2000xf32>
    %jit3A_77 = arith.constant 0xFF800000 : f32
    %broadcast_in_dim3A_78 = vector.broadcast %jit3A_77 : f32 to vector<1024x2000xf32>
    %select_n3A_79 = arith.select %eq3A_76, %broadcast_in_dim3A_78, %select_n3A_61 : vector<1024x2000xi1>, vector<1024x2000xf32>
    %reduce_max3A_80 = arith.constant dense<0xFF800000> : vector<1024xf32>
    %reduce_max3A_81 = vector.multi_reduction <maximumf>, %select_n3A_79, %reduce_max3A_80 [1] : vector<1024x2000xf32> to vector<1024xf32>
    %broadcast_in_dim3A_82 = vector.shape_cast %reduce_max3A_81 : vector<1024xf32> to vector<1024x1xf32>
    %eq3A_83 = vector.broadcast %broadcast_in_dim3A_82 : vector<1024x1xf32> to vector<1024x2000xf32>
    %eq3A_84 = arith.cmpf oeq, %select_n3A_79, %eq3A_83 : vector<1024x2000xf32>
    %jit3A_85 = arith.constant 2.000000e+03 : f32
    %broadcast_in_dim3A_86 = vector.broadcast %jit3A_85 : f32 to vector<1024x2000xf32>
    %select_n3A_87 = arith.select %eq3A_84, %convert_element_type3A, %broadcast_in_dim3A_86 : vector<1024x2000xi1>, vector<1024x2000xf32>
    %reduce_min3A_88 = arith.constant dense<0x7F800000> : vector<1024xf32>
    %reduce_min3A_89 = vector.multi_reduction <minimumf>, %select_n3A_87, %reduce_min3A_88 [1] : vector<1024x2000xf32> to vector<1024xf32>
    %broadcast_in_dim3A_90 = vector.shape_cast %reduce_min3A_89 : vector<1024xf32> to vector<1024x1xf32>
    %add3A_91 = vector.broadcast %convert_element_type3A_12 : f32 to vector<1024x1xf32>
    %add3A_92 = arith.addf %broadcast_in_dim3A_90, %add3A_91 : vector<1024x1xf32>
    %eq3A_93 = arith.constant 0 : i32
    %eq3A_94 = arith.cmpi eq, %arg0, %eq3A_93 : i32
    %convert_element_type3A_95 = arith.extui %eq3A_94 : i1 to i32
    %cond3A = arith.constant 0 : i32
    %cond3A_96 = arith.cmpi ne, %convert_element_type3A_95, %cond3A : i32
    scf.if %cond3A_96 {
      %broadcast_in_dim3A_191 = arith.constant 0xFF800000 : f32
      %broadcast_in_dim3A_192 = vector.broadcast %broadcast_in_dim3A_191 : f32 to vector<1024x5xf32>
      %swap3A_193 = arith.constant 0 : index
      %swap3A_194 = arith.constant 0 : index
      %swap3A_195 = vector.load %arg5[%swap3A_193, %swap3A_194] : memref<1024x5xf32, #tpu.memory_space<vmem>>, vector<1024x5xf32>
      tpu.vector_store %arg5[%swap3A_193, %swap3A_194], %broadcast_in_dim3A_192 {strides = array<i32>} : memref<1024x5xf32, #tpu.memory_space<vmem>>, vector<1024x5xf32>,
      %broadcast_in_dim3A_196 = arith.constant 0.000000e+00 : f32
      %broadcast_in_dim3A_197 = vector.broadcast %broadcast_in_dim3A_196 : f32 to vector<1024x5xf32>
      %swap3A_198 = arith.constant 0 : index
      %swap3A_199 = arith.constant 0 : index
      %swap3A_200 = vector.load %arg6[%swap3A_198, %swap3A_199] : memref<1024x5xf32, #tpu.memory_space<vmem>>, vector<1024x5xf32>
      tpu.vector_store %arg6[%swap3A_198, %swap3A_199], %broadcast_in_dim3A_197 {strides = array<i32>} : memref<1024x5xf32, #tpu.memory_space<vmem>>, vector<1024x5xf32>,
    } else {
    }
    %get3A_97 = arith.constant 0 : index
    %get3A_98 = arith.constant 0 : index
    %get3A_99 = vector.load %arg5[%get3A_97, %get3A_98] : memref<1024x5xf32, #tpu.memory_space<vmem>>, vector<1024x5xf32>
    %concatenate3A = tpu.concatenate %get3A_99, %broadcast_in_dim3A_14, %broadcast_in_dim3A_28, %broadcast_in_dim3A_46, %broadcast_in_dim3A_64, %broadcast_in_dim3A_82 in 1 : vector<1024x5xf32>, vector<1024x1xf32>, vector<1024x1xf32>, vector<1024x1xf32>, vector<1024x1xf32>, vector<1024x1xf32> -> vector<1024x10xf32>
    %get3A_100 = arith.constant 0 : index
    %get3A_101 = arith.constant 0 : index
    %get3A_102 = vector.load %arg6[%get3A_100, %get3A_101] : memref<1024x5xf32, #tpu.memory_space<vmem>>, vector<1024x5xf32>
    %concatenate3A_103 = tpu.concatenate %get3A_102, %add3A_20, %add3A_38, %add3A_56, %add3A_74, %add3A_92 in 1 : vector<1024x5xf32>, vector<1024x1xf32>, vector<1024x1xf32>, vector<1024x1xf32>, vector<1024x1xf32>, vector<1024x1xf32> -> vector<1024x10xf32>
    %reduce_max3A_104 = arith.constant dense<0xFF800000> : vector<1024xf32>
    %reduce_max3A_105 = vector.multi_reduction <maximumf>, %concatenate3A, %reduce_max3A_104 [1] : vector<1024x10xf32> to vector<1024xf32>
    %broadcast_in_dim3A_106 = vector.shape_cast %reduce_max3A_105 : vector<1024xf32> to vector<1024x1xf32>
    %eq3A_107 = vector.broadcast %broadcast_in_dim3A_106 : vector<1024x1xf32> to vector<1024x10xf32>
    %eq3A_108 = arith.cmpf oeq, %concatenate3A, %eq3A_107 : vector<1024x10xf32>
    %jit3A_109 = arith.constant 1.000000e+09 : f32
    %broadcast_in_dim3A_110 = vector.broadcast %jit3A_109 : f32 to vector<1024x10xf32>
    %select_n3A_111 = arith.select %eq3A_108, %concatenate3A_103, %broadcast_in_dim3A_110 : vector<1024x10xi1>, vector<1024x10xf32>
    %reduce_min3A_112 = arith.constant dense<0x7F800000> : vector<1024xf32>
    %reduce_min3A_113 = vector.multi_reduction <minimumf>, %select_n3A_111, %reduce_min3A_112 [1] : vector<1024x10xf32> to vector<1024xf32>
    %broadcast_in_dim3A_114 = vector.shape_cast %reduce_min3A_113 : vector<1024xf32> to vector<1024x1xf32>
    %eq3A_115 = vector.broadcast %broadcast_in_dim3A_114 : vector<1024x1xf32> to vector<1024x10xf32>
    %eq3A_116 = arith.cmpf oeq, %concatenate3A_103, %eq3A_115 : vector<1024x10xf32>
    %jit3A_117 = arith.constant 0xFF800000 : f32
    %broadcast_in_dim3A_118 = vector.broadcast %jit3A_117 : f32 to vector<1024x10xf32>
    %select_n3A_119 = arith.select %eq3A_116, %broadcast_in_dim3A_118, %concatenate3A : vector<1024x10xi1>, vector<1024x10xf32>
    %reduce_max3A_120 = arith.constant dense<0xFF800000> : vector<1024xf32>
    %reduce_max3A_121 = vector.multi_reduction <maximumf>, %select_n3A_119, %reduce_max3A_120 [1] : vector<1024x10xf32> to vector<1024xf32>
    %broadcast_in_dim3A_122 = vector.shape_cast %reduce_max3A_121 : vector<1024xf32> to vector<1024x1xf32>
    %eq3A_123 = vector.broadcast %broadcast_in_dim3A_122 : vector<1024x1xf32> to vector<1024x10xf32>
    %eq3A_124 = arith.cmpf oeq, %select_n3A_119, %eq3A_123 : vector<1024x10xf32>
    %jit3A_125 = arith.constant 1.000000e+09 : f32
    %broadcast_in_dim3A_126 = vector.broadcast %jit3A_125 : f32 to vector<1024x10xf32>
    %select_n3A_127 = arith.select %eq3A_124, %concatenate3A_103, %broadcast_in_dim3A_126 : vector<1024x10xi1>, vector<1024x10xf32>
    %reduce_min3A_128 = arith.constant dense<0x7F800000> : vector<1024xf32>
    %reduce_min3A_129 = vector.multi_reduction <minimumf>, %select_n3A_127, %reduce_min3A_128 [1] : vector<1024x10xf32> to vector<1024xf32>
    %broadcast_in_dim3A_130 = vector.shape_cast %reduce_min3A_129 : vector<1024xf32> to vector<1024x1xf32>
    %eq3A_131 = vector.broadcast %broadcast_in_dim3A_130 : vector<1024x1xf32> to vector<1024x10xf32>
    %eq3A_132 = arith.cmpf oeq, %concatenate3A_103, %eq3A_131 : vector<1024x10xf32>
    %jit3A_133 = arith.constant 0xFF800000 : f32
    %broadcast_in_dim3A_134 = vector.broadcast %jit3A_133 : f32 to vector<1024x10xf32>
    %select_n3A_135 = arith.select %eq3A_132, %broadcast_in_dim3A_134, %select_n3A_119 : vector<1024x10xi1>, vector<1024x10xf32>
    %reduce_max3A_136 = arith.constant dense<0xFF800000> : vector<1024xf32>
    %reduce_max3A_137 = vector.multi_reduction <maximumf>, %select_n3A_135, %reduce_max3A_136 [1] : vector<1024x10xf32> to vector<1024xf32>
    %broadcast_in_dim3A_138 = vector.shape_cast %reduce_max3A_137 : vector<1024xf32> to vector<1024x1xf32>
    %eq3A_139 = vector.broadcast %broadcast_in_dim3A_138 : vector<1024x1xf32> to vector<1024x10xf32>
    %eq3A_140 = arith.cmpf oeq, %select_n3A_135, %eq3A_139 : vector<1024x10xf32>
    %jit3A_141 = arith.constant 1.000000e+09 : f32
    %broadcast_in_dim3A_142 = vector.broadcast %jit3A_141 : f32 to vector<1024x10xf32>
    %select_n3A_143 = arith.select %eq3A_140, %concatenate3A_103, %broadcast_in_dim3A_142 : vector<1024x10xi1>, vector<1024x10xf32>
    %reduce_min3A_144 = arith.constant dense<0x7F800000> : vector<1024xf32>
    %reduce_min3A_145 = vector.multi_reduction <minimumf>, %select_n3A_143, %reduce_min3A_144 [1] : vector<1024x10xf32> to vector<1024xf32>
    %broadcast_in_dim3A_146 = vector.shape_cast %reduce_min3A_145 : vector<1024xf32> to vector<1024x1xf32>
    %eq3A_147 = vector.broadcast %broadcast_in_dim3A_146 : vector<1024x1xf32> to vector<1024x10xf32>
    %eq3A_148 = arith.cmpf oeq, %concatenate3A_103, %eq3A_147 : vector<1024x10xf32>
    %jit3A_149 = arith.constant 0xFF800000 : f32
    %broadcast_in_dim3A_150 = vector.broadcast %jit3A_149 : f32 to vector<1024x10xf32>
    %select_n3A_151 = arith.select %eq3A_148, %broadcast_in_dim3A_150, %select_n3A_135 : vector<1024x10xi1>, vector<1024x10xf32>
    %reduce_max3A_152 = arith.constant dense<0xFF800000> : vector<1024xf32>
    %reduce_max3A_153 = vector.multi_reduction <maximumf>, %select_n3A_151, %reduce_max3A_152 [1] : vector<1024x10xf32> to vector<1024xf32>
    %broadcast_in_dim3A_154 = vector.shape_cast %reduce_max3A_153 : vector<1024xf32> to vector<1024x1xf32>
    %eq3A_155 = vector.broadcast %broadcast_in_dim3A_154 : vector<1024x1xf32> to vector<1024x10xf32>
    %eq3A_156 = arith.cmpf oeq, %select_n3A_151, %eq3A_155 : vector<1024x10xf32>
    %jit3A_157 = arith.constant 1.000000e+09 : f32
    %broadcast_in_dim3A_158 = vector.broadcast %jit3A_157 : f32 to vector<1024x10xf32>
    %select_n3A_159 = arith.select %eq3A_156, %concatenate3A_103, %broadcast_in_dim3A_158 : vector<1024x10xi1>, vector<1024x10xf32>
    %reduce_min3A_160 = arith.constant dense<0x7F800000> : vector<1024xf32>
    %reduce_min3A_161 = vector.multi_reduction <minimumf>, %select_n3A_159, %reduce_min3A_160 [1] : vector<1024x10xf32> to vector<1024xf32>
    %broadcast_in_dim3A_162 = vector.shape_cast %reduce_min3A_161 : vector<1024xf32> to vector<1024x1xf32>
    %eq3A_163 = vector.broadcast %broadcast_in_dim3A_162 : vector<1024x1xf32> to vector<1024x10xf32>
    %eq3A_164 = arith.cmpf oeq, %concatenate3A_103, %eq3A_163 : vector<1024x10xf32>
    %jit3A_165 = arith.constant 0xFF800000 : f32
    %broadcast_in_dim3A_166 = vector.broadcast %jit3A_165 : f32 to vector<1024x10xf32>
    %select_n3A_167 = arith.select %eq3A_164, %broadcast_in_dim3A_166, %select_n3A_151 : vector<1024x10xi1>, vector<1024x10xf32>
    %reduce_max3A_168 = arith.constant dense<0xFF800000> : vector<1024xf32>
    %reduce_max3A_169 = vector.multi_reduction <maximumf>, %select_n3A_167, %reduce_max3A_168 [1] : vector<1024x10xf32> to vector<1024xf32>
    %broadcast_in_dim3A_170 = vector.shape_cast %reduce_max3A_169 : vector<1024xf32> to vector<1024x1xf32>
    %eq3A_171 = vector.broadcast %broadcast_in_dim3A_170 : vector<1024x1xf32> to vector<1024x10xf32>
    %eq3A_172 = arith.cmpf oeq, %select_n3A_167, %eq3A_171 : vector<1024x10xf32>
    %jit3A_173 = arith.constant 1.000000e+09 : f32
    %broadcast_in_dim3A_174 = vector.broadcast %jit3A_173 : f32 to vector<1024x10xf32>
    %select_n3A_175 = arith.select %eq3A_172, %concatenate3A_103, %broadcast_in_dim3A_174 : vector<1024x10xi1>, vector<1024x10xf32>
    %reduce_min3A_176 = arith.constant dense<0x7F800000> : vector<1024xf32>
    %reduce_min3A_177 = vector.multi_reduction <minimumf>, %select_n3A_175, %reduce_min3A_176 [1] : vector<1024x10xf32> to vector<1024xf32>
    %broadcast_in_dim3A_178 = vector.shape_cast %reduce_min3A_177 : vector<1024xf32> to vector<1024x1xf32>
    %concatenate3A_179 = tpu.concatenate %broadcast_in_dim3A_106, %broadcast_in_dim3A_122, %broadcast_in_dim3A_138, %broadcast_in_dim3A_154, %broadcast_in_dim3A_170 in 1 : vector<1024x1xf32>, vector<1024x1xf32>, vector<1024x1xf32>, vector<1024x1xf32>, vector<1024x1xf32> -> vector<1024x5xf32>
    %swap3A = arith.constant 0 : index
    %swap3A_180 = arith.constant 0 : index
    %swap3A_181 = vector.load %arg5[%swap3A, %swap3A_180] : memref<1024x5xf32, #tpu.memory_space<vmem>>, vector<1024x5xf32>
    tpu.vector_store %arg5[%swap3A, %swap3A_180], %concatenate3A_179 {strides = array<i32>} : memref<1024x5xf32, #tpu.memory_space<vmem>>, vector<1024x5xf32>,
    %concatenate3A_182 = tpu.concatenate %broadcast_in_dim3A_114, %broadcast_in_dim3A_130, %broadcast_in_dim3A_146, %broadcast_in_dim3A_162, %broadcast_in_dim3A_178 in 1 : vector<1024x1xf32>, vector<1024x1xf32>, vector<1024x1xf32>, vector<1024x1xf32>, vector<1024x1xf32> -> vector<1024x5xf32>
    %swap3A_183 = arith.constant 0 : index
    %swap3A_184 = arith.constant 0 : index
    %swap3A_185 = vector.load %arg6[%swap3A_183, %swap3A_184] : memref<1024x5xf32, #tpu.memory_space<vmem>>, vector<1024x5xf32>
    tpu.vector_store %arg6[%swap3A_183, %swap3A_184], %concatenate3A_182 {strides = array<i32>} : memref<1024x5xf32, #tpu.memory_space<vmem>>, vector<1024x5xf32>,
    %eq3A_186 = arith.constant 49 : i32
    %eq3A_187 = arith.cmpi eq, %arg0, %eq3A_186 : i32
    %convert_element_type3A_188 = arith.extui %eq3A_187 : i1 to i32
    %cond3A_189 = arith.constant 0 : i32
    %cond3A_190 = arith.cmpi ne, %convert_element_type3A_188, %cond3A_189 : i32
    scf.if %cond3A_190 {
      %get3A_191 = arith.constant 0 : index
      %get3A_192 = arith.constant 0 : index
      %get3A_193 = vector.load %arg5[%get3A_191, %get3A_192] : memref<1024x5xf32, #tpu.memory_space<vmem>>, vector<1024x5xf32>
      %swap3A_194 = arith.constant 0 : index
      %swap3A_195 = arith.constant 0 : index
      %swap3A_196 = vector.load %arg3[%swap3A_194, %swap3A_195] : memref<1024x5xf32, #tpu.memory_space<vmem>>, vector<1024x5xf32>
      tpu.vector_store %arg3[%swap3A_194, %swap3A_195], %get3A_193 {strides = array<i32>} : memref<1024x5xf32, #tpu.memory_space<vmem>>, vector<1024x5xf32>,
      %get3A_197 = arith.constant 0 : index
      %get3A_198 = arith.constant 0 : index
      %get3A_199 = vector.load %arg6[%get3A_197, %get3A_198] : memref<1024x5xf32, #tpu.memory_space<vmem>>, vector<1024x5xf32>
      %convert_element_type3A_200 = arith.fptosi %get3A_199 : vector<1024x5xf32> to vector<1024x5xi32>
      %swap3A_201 = arith.constant 0 : index
      %swap3A_202 = arith.constant 0 : index
      %swap3A_203 = vector.load %arg4[%swap3A_201, %swap3A_202] : memref<1024x5xi32, #tpu.memory_space<vmem>>, vector<1024x5xi32>
      tpu.vector_store %arg4[%swap3A_201, %swap3A_202], %convert_element_type3A_200 {strides = array<i32>} : memref<1024x5xi32, #tpu.memory_space<vmem>>, vector<1024x5xi32>,
    } else {
    }
    return
  }
  func.func @transform_0(%arg0: i32) -> (i32, i32) {
    %c0_i32 = arith.constant 0 : i32
    %c0_i32_0 = arith.constant 0 : i32
    %c0_i32_1 = arith.constant 0 : i32
    return %c0_i32, %c0_i32_0 : i32, i32
  }
  func.func @transform_1(%arg0: i32) -> (i32, i32) {
    %c0_i32 = arith.constant 0 : i32
    %c0_i32_0 = arith.constant 0 : i32
    return %arg0, %c0_i32 : i32, i32
  }
  func.func @transform_2(%arg0: i32) -> (i32, i32) {
    %c0_i32 = arith.constant 0 : i32
    %c0_i32_0 = arith.constant 0 : i32
    %c0_i32_1 = arith.constant 0 : i32
    return %c0_i32, %c0_i32_0 : i32, i32
  }
  func.func @transform_3(%arg0: i32) -> (i32, i32) {
    %c0_i32 = arith.constant 0 : i32
    %c0_i32_0 = arith.constant 0 : i32
    %c0_i32_1 = arith.constant 0 : i32
    return %c0_i32, %c0_i32_0 : i32, i32
  }
}

module attributes {stable_mosaic.version = 14 : i64} {
  func.func @_tail_body(%arg0: memref<1024x128xf32, #tpu.memory_space<vmem>>, %arg1: memref<1024x128xf32, #tpu.memory_space<vmem>>, %arg2: memref<1024x5xf32, #tpu.memory_space<vmem>>, %arg3: memref<1024x5x128xf32, #tpu.memory_space<vmem>>, %arg4: memref<1024x1xf32, #tpu.memory_space<vmem>>, %arg5: memref<128x32xf32, #tpu.memory_space<vmem>>, %arg6: memref<1x32xf32, #tpu.memory_space<vmem>>, %arg7: memref<32x128xf32, #tpu.memory_space<vmem>>, %arg8: memref<1x128xf32, #tpu.memory_space<vmem>>, %arg9: memref<128x128xf32, #tpu.memory_space<vmem>>, %arg10: memref<1x128xf32, #tpu.memory_space<vmem>>, %arg11: memref<1x128xf32, #tpu.memory_space<vmem>>, %arg12: memref<1x128xf32, #tpu.memory_space<vmem>>, %arg13: memref<256x128xf32, #tpu.memory_space<vmem>>, %arg14: memref<1x128xf32, #tpu.memory_space<vmem>>, %arg15: memref<128x64xf32, #tpu.memory_space<vmem>>, %arg16: memref<1x64xf32, #tpu.memory_space<vmem>>, %arg17: memref<64x1xf32, #tpu.memory_space<vmem>>, %arg18: memref<1x1xf32, #tpu.memory_space<vmem>>, %arg19: memref<1024x1xf32, #tpu.memory_space<vmem>>, %arg20: memref<1024x128xf32, #tpu.memory_space<vmem>>) attributes {dimension_semantics = [], scalar_prefetch = 0 : i64, scratch_operands = 0 : i64, tpu.core_type = #tpu.core_type<tc>} {
    %get3A = arith.constant 0 : index
    %get3A_0 = arith.constant 0 : index
    %get3A_1 = vector.load %arg2[%get3A, %get3A_0] : memref<1024x5xf32, #tpu.memory_space<vmem>>, vector<1024x5xf32>
    %reduce_max3A = arith.constant dense<0xFF800000> : vector<1024xf32>
    %reduce_max3A_2 = vector.multi_reduction <maximumf>, %get3A_1, %reduce_max3A [1] : vector<1024x5xf32> to vector<1024xf32>
    %max3A = arith.constant 0xFF800000 : f32
    %max3A_3 = vector.broadcast %max3A : f32 to vector<1024xf32>
    %max3A_4 = arith.maximumf %max3A_3, %reduce_max3A_2 : vector<1024xf32>
    %broadcast_in_dim3A = vector.shape_cast %max3A_4 : vector<1024xf32> to vector<1024x1xf32>
    %sub3A = vector.broadcast %broadcast_in_dim3A : vector<1024x1xf32> to vector<1024x5xf32>
    %sub3A_5 = arith.subf %get3A_1, %sub3A : vector<1024x5xf32>
    %exp3A = math.exp %sub3A_5 : vector<1024x5xf32>
    %reduce_sum3A = arith.constant dense<0.000000e+00> : vector<1024xf32>
    %reduce_sum3A_6 = vector.multi_reduction <add>, %exp3A, %reduce_sum3A [1] : vector<1024x5xf32> to vector<1024xf32>
    %broadcast_in_dim3A_7 = vector.shape_cast %reduce_sum3A_6 : vector<1024xf32> to vector<1024x1xf32>
    %div3A = vector.broadcast %broadcast_in_dim3A_7 : vector<1024x1xf32> to vector<1024x5xf32>
    %div3A_8 = arith.divf %exp3A, %div3A : vector<1024x5xf32>
    %get3A_9 = arith.constant 0 : index
    %get3A_10 = arith.constant 0 : index
    %get3A_11 = arith.constant 0 : index
    %get3A_12 = vector.load %arg3[%get3A_9, %get3A_10, %get3A_11] : memref<1024x5x128xf32, #tpu.memory_space<vmem>>, vector<1024x5x128xf32>
    %broadcast_in_dim3A_13 = arith.constant 0.000000e+00 : f32
    %broadcast_in_dim3A_14 = vector.broadcast %broadcast_in_dim3A_13 : f32 to vector<1024x128xf32>
    %slice3A = vector.extract_strided_slice %div3A_8 {offsets = [0, 0], sizes = [1024, 1], strides = [1, 1]} : vector<1024x5xf32> to vector<1024x1xf32>
    %slice3A_15 = vector.extract_strided_slice %get3A_12 {offsets = [0, 0, 0], sizes = [1024, 1, 128], strides = [1, 1, 1]} : vector<1024x5x128xf32> to vector<1024x1x128xf32>
    %squeeze3A = vector.shape_cast %slice3A_15 : vector<1024x1x128xf32> to vector<1024x128xf32>
    %mul3A = vector.broadcast %slice3A : vector<1024x1xf32> to vector<1024x128xf32>
    %mul3A_16 = arith.mulf %mul3A, %squeeze3A : vector<1024x128xf32>
    %add3A = arith.addf %broadcast_in_dim3A_14, %mul3A_16 : vector<1024x128xf32>
    %slice3A_17 = vector.extract_strided_slice %div3A_8 {offsets = [0, 1], sizes = [1024, 1], strides = [1, 1]} : vector<1024x5xf32> to vector<1024x1xf32>
    %slice3A_18 = vector.extract_strided_slice %get3A_12 {offsets = [0, 1, 0], sizes = [1024, 1, 128], strides = [1, 1, 1]} : vector<1024x5x128xf32> to vector<1024x1x128xf32>
    %squeeze3A_19 = vector.shape_cast %slice3A_18 : vector<1024x1x128xf32> to vector<1024x128xf32>
    %mul3A_20 = vector.broadcast %slice3A_17 : vector<1024x1xf32> to vector<1024x128xf32>
    %mul3A_21 = arith.mulf %mul3A_20, %squeeze3A_19 : vector<1024x128xf32>
    %add3A_22 = arith.addf %add3A, %mul3A_21 : vector<1024x128xf32>
    %slice3A_23 = vector.extract_strided_slice %div3A_8 {offsets = [0, 2], sizes = [1024, 1], strides = [1, 1]} : vector<1024x5xf32> to vector<1024x1xf32>
    %slice3A_24 = vector.extract_strided_slice %get3A_12 {offsets = [0, 2, 0], sizes = [1024, 1, 128], strides = [1, 1, 1]} : vector<1024x5x128xf32> to vector<1024x1x128xf32>
    %squeeze3A_25 = vector.shape_cast %slice3A_24 : vector<1024x1x128xf32> to vector<1024x128xf32>
    %mul3A_26 = vector.broadcast %slice3A_23 : vector<1024x1xf32> to vector<1024x128xf32>
    %mul3A_27 = arith.mulf %mul3A_26, %squeeze3A_25 : vector<1024x128xf32>
    %add3A_28 = arith.addf %add3A_22, %mul3A_27 : vector<1024x128xf32>
    %slice3A_29 = vector.extract_strided_slice %div3A_8 {offsets = [0, 3], sizes = [1024, 1], strides = [1, 1]} : vector<1024x5xf32> to vector<1024x1xf32>
    %slice3A_30 = vector.extract_strided_slice %get3A_12 {offsets = [0, 3, 0], sizes = [1024, 1, 128], strides = [1, 1, 1]} : vector<1024x5x128xf32> to vector<1024x1x128xf32>
    %squeeze3A_31 = vector.shape_cast %slice3A_30 : vector<1024x1x128xf32> to vector<1024x128xf32>
    %mul3A_32 = vector.broadcast %slice3A_29 : vector<1024x1xf32> to vector<1024x128xf32>
    %mul3A_33 = arith.mulf %mul3A_32, %squeeze3A_31 : vector<1024x128xf32>
    %add3A_34 = arith.addf %add3A_28, %mul3A_33 : vector<1024x128xf32>
    %slice3A_35 = vector.extract_strided_slice %div3A_8 {offsets = [0, 4], sizes = [1024, 1], strides = [1, 1]} : vector<1024x5xf32> to vector<1024x1xf32>
    %slice3A_36 = vector.extract_strided_slice %get3A_12 {offsets = [0, 4, 0], sizes = [1024, 1, 128], strides = [1, 1, 1]} : vector<1024x5x128xf32> to vector<1024x1x128xf32>
    %squeeze3A_37 = vector.shape_cast %slice3A_36 : vector<1024x1x128xf32> to vector<1024x128xf32>
    %mul3A_38 = vector.broadcast %slice3A_35 : vector<1024x1xf32> to vector<1024x128xf32>
    %mul3A_39 = arith.mulf %mul3A_38, %squeeze3A_37 : vector<1024x128xf32>
    %add3A_40 = arith.addf %add3A_34, %mul3A_39 : vector<1024x128xf32>
    %get3A_41 = arith.constant 0 : index
    %get3A_42 = arith.constant 0 : index
    %get3A_43 = vector.load %arg0[%get3A_41, %get3A_42] : memref<1024x128xf32, #tpu.memory_space<vmem>>, vector<1024x128xf32>
    %get3A_44 = arith.constant 0 : index
    %get3A_45 = arith.constant 0 : index
    %get3A_46 = vector.load %arg1[%get3A_44, %get3A_45] : memref<1024x128xf32, #tpu.memory_space<vmem>>, vector<1024x128xf32>
    %mul3A_47 = arith.constant 5.000000e-01 : f32
    %mul3A_48 = vector.broadcast %mul3A_47 : f32 to vector<1024x128xf32>
    %mul3A_49 = arith.mulf %mul3A_48, %add3A_40 : vector<1024x128xf32>
    %mul3A_50 = arith.constant 5.000000e-01 : f32
    %mul3A_51 = vector.broadcast %mul3A_50 : f32 to vector<1024x128xf32>
    %mul3A_52 = arith.mulf %mul3A_51, %get3A_43 : vector<1024x128xf32>
    %add3A_53 = arith.addf %mul3A_49, %mul3A_52 : vector<1024x128xf32>
    %swap3A = arith.constant 0 : index
    %swap3A_54 = arith.constant 0 : index
    %swap3A_55 = vector.load %arg20[%swap3A, %swap3A_54] : memref<1024x128xf32, #tpu.memory_space<vmem>>, vector<1024x128xf32>
    tpu.vector_store %arg20[%swap3A, %swap3A_54], %add3A_53 {strides = array<i32>} : memref<1024x128xf32, #tpu.memory_space<vmem>>, vector<1024x128xf32>,
    %add3A_56 = arith.addf %get3A_43, %add3A_53 : vector<1024x128xf32>
    %add3A_57 = arith.addf %add3A_56, %get3A_46 : vector<1024x128xf32>
    %div3A_58 = arith.constant 3.000000e+00 : f32
    %div3A_59 = vector.broadcast %div3A_58 : f32 to vector<1024x128xf32>
    %div3A_60 = arith.divf %add3A_57, %div3A_59 : vector<1024x128xf32>
    %get3A_61 = arith.constant 0 : index
    %get3A_62 = arith.constant 0 : index
    %get3A_63 = vector.load %arg5[%get3A_61, %get3A_62] : memref<128x32xf32, #tpu.memory_space<vmem>>, vector<128x32xf32>
    %dot_general3A = arith.constant dense<0.000000e+00> : vector<1024x32xf32>
    %dot_general3A_64 = tpu.matmul %div3A_60, %get3A_63, %dot_general3A {dimension_numbers = #tpu.dot_dimension_numbers<[1], [0], [0], [1], [0, 0, 1, 1], [], []>, transpose_lhs_hint = false} : vector<1024x128xf32>, vector<128x32xf32>, vector<1024x32xf32> -> vector<1024x32xf32>
    %get3A_65 = arith.constant 0 : index
    %get3A_66 = arith.constant 0 : index
    %get3A_67 = vector.load %arg6[%get3A_65, %get3A_66] : memref<1x32xf32, #tpu.memory_space<vmem>>, vector<1x32xf32>
    %add3A_68 = vector.broadcast %get3A_67 : vector<1x32xf32> to vector<1024x32xf32>
    %add3A_69 = arith.addf %dot_general3A_64, %add3A_68 : vector<1024x32xf32>
    %max3A_70 = arith.constant 0.000000e+00 : f32
    %max3A_71 = vector.broadcast %max3A_70 : f32 to vector<1024x32xf32>
    %max3A_72 = arith.maximumf %add3A_69, %max3A_71 : vector<1024x32xf32>
    %get3A_73 = arith.constant 0 : index
    %get3A_74 = arith.constant 0 : index
    %get3A_75 = vector.load %arg7[%get3A_73, %get3A_74] : memref<32x128xf32, #tpu.memory_space<vmem>>, vector<32x128xf32>
    %dot_general3A_76 = arith.constant dense<0.000000e+00> : vector<1024x128xf32>
    %dot_general3A_77 = tpu.matmul %max3A_72, %get3A_75, %dot_general3A_76 {dimension_numbers = #tpu.dot_dimension_numbers<[1], [0], [0], [1], [0, 0, 1, 1], [], []>, transpose_lhs_hint = false} : vector<1024x32xf32>, vector<32x128xf32>, vector<1024x128xf32> -> vector<1024x128xf32>
    %get3A_78 = arith.constant 0 : index
    %get3A_79 = arith.constant 0 : index
    %get3A_80 = vector.load %arg8[%get3A_78, %get3A_79] : memref<1x128xf32, #tpu.memory_space<vmem>>, vector<1x128xf32>
    %add3A_81 = vector.broadcast %get3A_80 : vector<1x128xf32> to vector<1024x128xf32>
    %add3A_82 = arith.addf %dot_general3A_77, %add3A_81 : vector<1024x128xf32>
    %logistic3A = arith.negf %add3A_82 : vector<1024x128xf32>
    %logistic3A_83 = math.exp %logistic3A : vector<1024x128xf32>
    %logistic3A_84 = arith.constant 1.000000e+00 : f32
    %logistic3A_85 = vector.broadcast %logistic3A_84 : f32 to vector<1024x128xf32>
    %logistic3A_86 = arith.addf %logistic3A_85, %logistic3A_83 : vector<1024x128xf32>
    %logistic3A_87 = arith.divf %logistic3A_85, %logistic3A_86 : vector<1024x128xf32>
    %mul3A_88 = arith.mulf %add3A_57, %logistic3A_87 : vector<1024x128xf32>
    %get3A_89 = arith.constant 0 : index
    %get3A_90 = arith.constant 0 : index
    %get3A_91 = vector.load %arg9[%get3A_89, %get3A_90] : memref<128x128xf32, #tpu.memory_space<vmem>>, vector<128x128xf32>
    %dot_general3A_92 = arith.constant dense<0.000000e+00> : vector<1024x128xf32>
    %dot_general3A_93 = tpu.matmul %mul3A_88, %get3A_91, %dot_general3A_92 {dimension_numbers = #tpu.dot_dimension_numbers<[1], [0], [0], [1], [0, 0, 1, 1], [], []>, transpose_lhs_hint = false} : vector<1024x128xf32>, vector<128x128xf32>, vector<1024x128xf32> -> vector<1024x128xf32>
    %get3A_94 = arith.constant 0 : index
    %get3A_95 = arith.constant 0 : index
    %get3A_96 = vector.load %arg10[%get3A_94, %get3A_95] : memref<1x128xf32, #tpu.memory_space<vmem>>, vector<1x128xf32>
    %add3A_97 = vector.broadcast %get3A_96 : vector<1x128xf32> to vector<1024x128xf32>
    %add3A_98 = arith.addf %dot_general3A_93, %add3A_97 : vector<1024x128xf32>
    %get3A_99 = arith.constant 0 : index
    %get3A_100 = arith.constant 0 : index
    %get3A_101 = vector.load %arg4[%get3A_99, %get3A_100] : memref<1024x1xf32, #tpu.memory_space<vmem>>, vector<1024x1xf32>
    %get3A_102 = arith.constant 0 : index
    %get3A_103 = arith.constant 0 : index
    %get3A_104 = vector.load %arg11[%get3A_102, %get3A_103] : memref<1x128xf32, #tpu.memory_space<vmem>>, vector<1x128xf32>
    %dot_general3A_105 = arith.constant dense<0.000000e+00> : vector<1024x128xf32>
    %dot_general3A_106 = tpu.matmul %get3A_101, %get3A_104, %dot_general3A_105 {dimension_numbers = #tpu.dot_dimension_numbers<[1], [0], [0], [1], [0, 0, 1, 1], [], []>, transpose_lhs_hint = false} : vector<1024x1xf32>, vector<1x128xf32>, vector<1024x128xf32> -> vector<1024x128xf32>
    %get3A_107 = arith.constant 0 : index
    %get3A_108 = arith.constant 0 : index
    %get3A_109 = vector.load %arg12[%get3A_107, %get3A_108] : memref<1x128xf32, #tpu.memory_space<vmem>>, vector<1x128xf32>
    %add3A_110 = vector.broadcast %get3A_109 : vector<1x128xf32> to vector<1024x128xf32>
    %add3A_111 = arith.addf %dot_general3A_106, %add3A_110 : vector<1024x128xf32>
    %max3A_112 = arith.constant 0.000000e+00 : f32
    %max3A_113 = vector.broadcast %max3A_112 : f32 to vector<1024x128xf32>
    %max3A_114 = arith.maximumf %add3A_111, %max3A_113 : vector<1024x128xf32>
    %concatenate3A = tpu.concatenate %add3A_98, %max3A_114 in 1 : vector<1024x128xf32>, vector<1024x128xf32> -> vector<1024x256xf32>
    %get3A_115 = arith.constant 0 : index
    %get3A_116 = arith.constant 0 : index
    %get3A_117 = vector.load %arg13[%get3A_115, %get3A_116] : memref<256x128xf32, #tpu.memory_space<vmem>>, vector<256x128xf32>
    %dot_general3A_118 = arith.constant dense<0.000000e+00> : vector<1024x128xf32>
    %dot_general3A_119 = tpu.matmul %concatenate3A, %get3A_117, %dot_general3A_118 {dimension_numbers = #tpu.dot_dimension_numbers<[1], [0], [0], [1], [0, 0, 1, 1], [], []>, transpose_lhs_hint = false} : vector<1024x256xf32>, vector<256x128xf32>, vector<1024x128xf32> -> vector<1024x128xf32>
    %get3A_120 = arith.constant 0 : index
    %get3A_121 = arith.constant 0 : index
    %get3A_122 = vector.load %arg14[%get3A_120, %get3A_121] : memref<1x128xf32, #tpu.memory_space<vmem>>, vector<1x128xf32>
    %add3A_123 = vector.broadcast %get3A_122 : vector<1x128xf32> to vector<1024x128xf32>
    %add3A_124 = arith.addf %dot_general3A_119, %add3A_123 : vector<1024x128xf32>
    %max3A_125 = arith.constant 0.000000e+00 : f32
    %max3A_126 = vector.broadcast %max3A_125 : f32 to vector<1024x128xf32>
    %max3A_127 = arith.maximumf %add3A_124, %max3A_126 : vector<1024x128xf32>
    %get3A_128 = arith.constant 0 : index
    %get3A_129 = arith.constant 0 : index
    %get3A_130 = vector.load %arg15[%get3A_128, %get3A_129] : memref<128x64xf32, #tpu.memory_space<vmem>>, vector<128x64xf32>
    %dot_general3A_131 = arith.constant dense<0.000000e+00> : vector<1024x64xf32>
    %dot_general3A_132 = tpu.matmul %max3A_127, %get3A_130, %dot_general3A_131 {dimension_numbers = #tpu.dot_dimension_numbers<[1], [0], [0], [1], [0, 0, 1, 1], [], []>, transpose_lhs_hint = false} : vector<1024x128xf32>, vector<128x64xf32>, vector<1024x64xf32> -> vector<1024x64xf32>
    %get3A_133 = arith.constant 0 : index
    %get3A_134 = arith.constant 0 : index
    %get3A_135 = vector.load %arg16[%get3A_133, %get3A_134] : memref<1x64xf32, #tpu.memory_space<vmem>>, vector<1x64xf32>
    %add3A_136 = vector.broadcast %get3A_135 : vector<1x64xf32> to vector<1024x64xf32>
    %add3A_137 = arith.addf %dot_general3A_132, %add3A_136 : vector<1024x64xf32>
    %max3A_138 = arith.constant 0.000000e+00 : f32
    %max3A_139 = vector.broadcast %max3A_138 : f32 to vector<1024x64xf32>
    %max3A_140 = arith.maximumf %add3A_137, %max3A_139 : vector<1024x64xf32>
    %get3A_141 = arith.constant 0 : index
    %get3A_142 = arith.constant 0 : index
    %get3A_143 = vector.load %arg17[%get3A_141, %get3A_142] : memref<64x1xf32, #tpu.memory_space<vmem>>, vector<64x1xf32>
    %dot_general3A_144 = arith.constant dense<0.000000e+00> : vector<1024x1xf32>
    %dot_general3A_145 = tpu.matmul %max3A_140, %get3A_143, %dot_general3A_144 {dimension_numbers = #tpu.dot_dimension_numbers<[1], [0], [0], [1], [0, 0, 1, 1], [], []>, transpose_lhs_hint = false} : vector<1024x64xf32>, vector<64x1xf32>, vector<1024x1xf32> -> vector<1024x1xf32>
    %get3A_146 = arith.constant 0 : index
    %get3A_147 = arith.constant 0 : index
    %get3A_148 = vector.load %arg18[%get3A_146, %get3A_147] : memref<1x1xf32, #tpu.memory_space<vmem>>, vector<1x1xf32>
    %add3A_149 = vector.broadcast %get3A_148 : vector<1x1xf32> to vector<1024x1xf32>
    %add3A_150 = arith.addf %dot_general3A_145, %add3A_149 : vector<1024x1xf32>
    %swap3A_151 = arith.constant 0 : index
    %swap3A_152 = arith.constant 0 : index
    %swap3A_153 = vector.load %arg19[%swap3A_151, %swap3A_152] : memref<1024x1xf32, #tpu.memory_space<vmem>>, vector<1024x1xf32>
    tpu.vector_store %arg19[%swap3A_151, %swap3A_152], %add3A_150 {strides = array<i32>} : memref<1024x1xf32, #tpu.memory_space<vmem>>, vector<1024x1xf32>,
    return
  }
}

</mosaic_0001>

<sc_bundles>
// kernel: kernel.6.cloned.1.call-start
scs
__scs_entry_jumppad:
0x0: {  	(pc) =	sbr.rel $0x88, $3  }
0x1: {  	(tag) =	ssettag $0x0;
	lr =	simm.s32 $0x1  }
0x2: {  	[smem:$0x3F70] =	sst lr;
	_ =	strace $0xD0000000  }
0x3: {  	_ = 	snop  }
0x4: {  	_ = 	snop  }
0x5: {  	_ = 	snop  }
0x6: {  	_ = 	snop  }
0x7: {  	_ = 	snop  }
__scs_overlays_trampoline_lowered:
0x8: {  	[smem:$0x3F7F] =	sst s0  }
0x9: {  	[smem:$0x3F80] =	sst s1  }
0xa: {  	[smem:$0x3F81] =	sst s2  }
0xb: {  	[smem:$0x3F82] =	sst s3  }
0xc: {  	[smem:$0x3F83] =	sst s4  }
0xd: {  	[smem:$0x3F84] =	sst s5  }
0xe: {  	[smem:$0x3F85] =	sst s6  }
0xf: {  	[smem:$0x3F86] =	sst s7  }
0x10: {  	[smem:$0x3F87] =	sst s8  }
0x11: {  	[smem:$0x3F88] =	sst s9;
	s0 =	simm.s32 @!p0 $0x0  }
0x12: {  	s1 =	sld [smem:$0x3F6E];
	s0 =	simm.s32 @p0 $0x1  }
0x13: {  	[smem:$0x3F89] =	sst s0;
	s0 =	simm.s32 @!p1 $0x0  }
0x14: {  	s2 =	sld [smem:$0x3F6D];
	s0 =	simm.s32 @p1 $0x1  }
0x15: {  	[smem:$0x3F8A] =	sst s0;
	s0 =	simm.s32 @!p2 $0x0  }
0x16: {  	s3 =	sld [smem:$0x3FDB];
	s0 =	simm.s32 @p2 $0x1  }
0x17: {  	s4 =	simm.s32 $0x1BF5;
	[smem:$0x3F8C] =	sst s0  }
0x18: {  	s0 =	sld [smem:$0x3F6F];
	_ =	swait.ge [sflag:s4], $0x0  }
0x19: {  	s7 =	sld [smem:$0x3F70]  }
0x1a: {  	s8 =	sadd.s32 $0xFFFFE003, lr  }
0x1b: {  	s9 =	sadd.s32 $0xFFFFFEF7, lr;
	s5 =	simm.s32 $0xFFFFFFFF;
	p2 =	slt.u32 s8, $0xFFFFF086  }
0x1c: {  	p1 =	slt.u32 s9, $0xF7A;
	s5 =	simm.s32 @!p2 $0x0  }
0x1d: {  	s5 =	simm.s32 @p1 $0x1;
	p0 =	seq.s32 s7, s2  }
0x1e: {  	s7 =	smul.u32 @!p0 $0xF7A, s2;
	p2 =	seq.s32 @!p0 s5, $0x0  }
0x1f: {  	s9 =	smul.u32 $0xF7A, s1;
	s8 =	simm.s32 @!p0 $0x1BF5;
	p2 =	por !p2, p0  }
0x20: {  	[sflag:s8] =	ssyncset.s32 @!p0 $0xFFFFF086;
	s6 =	sadd.s32 @!p0 s3, s7;
	s7 =	simm.s32 @!p0 $0x108  }
0x21: {  	s3 =	sadd.s32 s3, s9;
	s6 =	sadd.s32 @!p0 $0x88, s6;
	s7 =	simm.s32 @p2 $0x1082  }
0x22: {  	[simem:s7], [sflag:s8] =	dma.local @!p0 [hbm:s6], $0xF7A  }
0x23: {  	s9 =	sor.u32 $0xD0000000, s2;
	s6 =	simm.s32 $0x108;
	_ =	swait.ge @!p0 [sflag:s8], $0x0  }
0x24: {  	s3 =	sadd.s32 $0x88, s3;
	s6 =	simm.s32 @!p1 $0x1082;
	[sflag:s4] =	ssyncset.s32 $0xFFFFF086  }
0x25: {  	[simem:s6], [sflag:s4] =	dma.local [hbm:s3], $0xF7A  }
0x26: {  	[smem:$0x3F70] =	sst s1;
	(tag) =	ssettag s2;
	_ =	strace s9  }
0x27: {  	s1 =	sld [smem:$0x3F80]  }
0x28: {  	s2 =	sld [smem:$0x3F81]  }
0x29: {  	s4 =	sld [smem:$0x3F83]  }
0x2a: {  	p0 =	seq.s32 s5, $0x0;
	s5 =	sld [smem:$0x3F84]  }
0x2b: {  	s6 =	sld [smem:$0x3F85]  }
0x2c: {  	s7 =	sld [smem:$0x3F86]  }
0x2d: {  	s3 =	simm.s32 $0x108;
	s8 =	sld [smem:$0x3F87]  }
0x2e: {  	s3 =	simm.s32 @!p0 $0x1082;
	s9 =	sld [smem:$0x3F88]  }
0x2f: {  	lr =	sadd.s32 s0, s3;
	s0 =	sld [smem:$0x3F7F]  }
0x30: {  	s3 =	sld [smem:$0x3F82]  }
0x31: {  	[smem:$0x3F8B] =	sst s10  }
0x32: {  	s10 =	sld [smem:$0x3F89];
	_ =	sdelay $0x3  }
0x33: {  	p0 =	seq.s32 s10, $0x1;
	s10 =	sld [smem:$0x3F8B];
	_ =	sdelay $0x3  }
0x34: {  	[smem:$0x3F8B] =	sst s10  }
0x35: {  	s10 =	sld [smem:$0x3F8A];
	_ =	sdelay $0x3  }
0x36: {  	p1 =	seq.s32 s10, $0x1;
	s10 =	sld [smem:$0x3F8B];
	_ =	sdelay $0x3  }
0x37: {  	[smem:$0x3F8B] =	sst s10  }
0x38: {  	s10 =	sld [smem:$0x3F8C]  }
0x39: {  	_ = 	snop;
	(pc) =	sbr.ind lr, $3  }
0x3a: {  	_ = 	snop  }
0x3b: {  	_ = 	snop  }
0x3c: {  	p2 =	seq.s32 s10, $0x1;
	s10 =	sld [smem:$0x3F8B]  }
0x3d: {  	_ =	shalt  }
0x3e: {  	_ =	shalt  }
0x3f: {  	_ =	shalt  }
0x40: {  	_ =	shalt  }
0x41: {  	_ =	shalt  }
0x42: {  	_ =	shalt  }
0x43: {  	_ =	shalt  }
0x44: {  	_ =	shalt  }
0x45: {  	_ =	shalt  }
0x46: {  	_ =	shalt  }
0x47: {  	_ =	shalt  }
0x48: {  	_ =	shalt  }
0x49: {  	_ =	shalt  }
0x4a: {  	_ =	shalt  }
0x4b: {  	_ =	shalt  }
0x4c: {  	_ =	shalt  }
0x4d: {  	_ =	shalt  }
0x4e: {  	_ =	shalt  }
0x4f: {  	_ =	shalt  }
0x50: {  	_ =	shalt  }
0x51: {  	_ =	shalt  }
0x52: {  	_ =	shalt  }
0x53: {  	_ =	shalt  }
0x54: {  	_ =	shalt  }
0x55: {  	_ =	shalt  }
0x56: {  	_ =	shalt  }
0x57: {  	_ =	shalt  }
0x58: {  	_ =	shalt  }
0x59: {  	_ =	shalt  }
0x5a: {  	_ =	shalt  }
0x5b: {  	_ =	shalt  }
0x5c: {  	_ =	shalt  }
0x5d: {  	_ =	shalt  }
0x5e: {  	_ =	shalt  }
0x5f: {  	_ =	shalt  }
0x60: {  	_ =	shalt  }
0x61: {  	_ =	shalt  }
0x62: {  	_ =	shalt  }
0x63: {  	_ =	shalt  }
0x64: {  	_ =	shalt  }
0x65: {  	_ =	shalt  }
0x66: {  	_ =	shalt  }
0x67: {  	_ =	shalt  }
0x68: {  	_ =	shalt  }
0x69: {  	_ =	shalt  }
0x6a: {  	_ =	shalt  }
0x6b: {  	_ =	shalt  }
0x6c: {  	_ =	shalt  }
0x6d: {  	_ =	shalt  }
0x6e: {  	_ =	shalt  }
0x6f: {  	_ =	shalt  }
0x70: {  	_ =	shalt  }
0x71: {  	_ =	shalt  }
0x72: {  	_ =	shalt  }
0x73: {  	_ =	shalt  }
0x74: {  	_ =	shalt  }
0x75: {  	_ =	shalt  }
0x76: {  	_ =	shalt  }
0x77: {  	_ =	shalt  }
0x78: {  	_ =	shalt  }
0x79: {  	_ =	shalt  }
0x7a: {  	_ =	shalt  }
0x7b: {  	_ =	shalt  }
0x7c: {  	_ =	shalt  }
0x7d: {  	_ =	shalt  }
0x7e: {  	_ =	shalt  }
0x7f: {  	_ =	shalt  }
0x80: {  	_ =	shalt  }
0x81: {  	_ =	shalt  }
0x82: {  	_ =	shalt  }
0x83: {  	_ =	shalt  }
0x84: {  	_ =	shalt  }
0x85: {  	_ =	shalt  }
0x86: {  	_ =	shalt  }
0x87: {  	_ =	shalt  }
.Lfunc_end0:
.L_simem_size_0:
called_computation_lowered:
.L_overlay_start_0:
0x88: {  	s2 =	sld [smem:$0x3FD9]  }
0x89: {  	s3 =	sld [smem:$0x3FFE];
	_ =	sdelay $0x1  }
0x8a: {  	s1 =	srdreg.scid  }
0x8b: {  	s0 =	sand.u32 $0x1, s1  }
0x8c: {  	s14 =	sshll.u32 s0, $0xA;
	s2 =	sadd.s32 s3, s2  }
0x8d: {  	s2 =	sadd.s32 s2, s14  }
0x8e: {  	[smem:$0x3F97] =	sst s2  }
0x8f: {  	_ = 	snop  }
0x90: {  	s2 =	sld [smem:$0x3FD0];
	_ =	sdelay $0x2  }
0x91: {  	s4 =	simm.s32 $0xA;
	s5 =	simm.s32 $0x10;
	s15 =	sld [smem:$0x3F99]  }
0x92: {  	[smem:s5], [sflag:s4] =	dma.local [hbm:s2], $0x1  }
0x93: {  	_ =	swait.eq [sflag:s4], $0x1  }
0x94: {  	[sflag:s4] =	ssyncset.done $0x0  }
0x95: {  	[sflag:s4] =	ssyncadd.s32 $0xFFFFFFFF  }
0x96: {  	s16 =	sld [smem:$0x13];
	(tm) =	ssettm $0x1  }
0x97: {  	s17 =	sld [smem:$0x3FFB];
	_ =	sdelay $0x3  }
0x98: {  	_ =	strace s17  }
0x99: {  	s4 =	sld [smem:$0x3FFC];
	_ =	sdelay $0x3  }
0x9a: {  	_ =	strace s4  }
0x9b: {  	s4 =	sld [smem:$0x3FFD];
	_ =	sdelay $0x3  }
0x9c: {  	_ =	strace s4  }
0x9d: {  	_ =	strace $0x8FFFFFFF  }
0x9e: {  	s18 =	sld [smem:$0x3FDB];
	_ =	sdelay $0x1  }
0x9f: {  	s19 =	simm.s32 $_scs_section_size  }
0xa0: {  	s6 =	simm.s32 $_size__tile_overlayer_lowered;
	s7 =	simm.s32 $_tile_overlayer_lowered  }
0xa1: {  	s22 =	simm.s32 $0x1BFF;
	s21 =	sshll.u32 s7, $0x1;
	s4 =	sadd.s32 s19, s18  }
0xa2: {  	s8 =	simm.s32 $0x0;
	s20 =	sshll.u32 s6, $0x1;
	s6 =	sadd.s32 s21, s4  }
0xa3: {  	[timem:s8], [sflag:s22] =	dma.local [hbm:s6], s20  }
0xa4: {  	_ =	swait.ge [sflag:s22], s20  }
0xa5: {  	s5 =	ssub.s32 $0x0, s20;
	[sflag:s22] =	ssyncset.done $0x0  }
0xa6: {  	[sflag:s22] =	ssyncadd.s32 s5;
	_ =	sdelay $0x1  }
0xa7: {  	s23 =	simm.s32 $0x1B8B  }
0xa8: {  	_ =	swait.ge [sflag:s23], $0x1  }
0xa9: {  	[sflag:s23] =	ssyncset.done $0x0  }
0xaa: {  	s25 =	simm.s32 $0x1B8E;
	s24 =	sld [smem:$0x3FFE];
	[sflag:s23] =	ssyncadd.s32 $0xFFFFFFFF  }
0xab: {  	s26 =	simm.s32 $execute0_lowered;
	[smem:$0x3FD2] =	sst s25  }
0xac: {  	s6 =	sshll.u32 s26, $0x1;
	_ =	strace $0x80000046;
	[dreg:$0x1] =	wrdreg $0xFFFFFFFF  }
0xad: {  	s28 =	simm.s32 $_size_execute0_lowered;
	s4 =	sadd.s32 s4, s6;
	[dreg:$0x0] =	wrdreg $0x0  }
0xae: {  	s6 =	sshll.u32 s28, $0x1;
	[dreg:$0x2] =	wrdreg s4  }
0xaf: {  	[dreg:$0x3] =	wrdreg s6  }
0xb0: {  	[dreg:$0x4] =	wrdreg $0xC0  }
0xb1: {  	_ =	task [dreg:s8], $0x5FFFF  }
0xb2: {  	[dreg:$0x1] =	wrdreg $0xFFFFFFFF  }
0xb3: {  	[dreg:$0x0] =	wrdreg $0x60  }
0xb4: {  	[dreg:$0x2] =	wrdreg s15  }
0xb5: {  	[dreg:$0x3] =	wrdreg s16  }
0xb6: {  	[dreg:$0x4] =	wrdreg s24  }
0xb7: {  	[dreg:$0x5] =	wrdreg $0x9  }
0xb8: {  	_ =	task.clear_ibuf [dreg:s8], $0x6FFFF;
	_ =	strace $0x90000046  }
0xb9: {  	s29 =	simm.s32 $0x9;
	_ =	strace $0x80000048  }
0xba: {  	_ =	swait.ge [sflag:s29], $0x1  }
0xbb: {  	[sflag:s29] =	ssyncadd.s32 $0xFFFFFFFF  }
0xbc: {  	_ =	strace $0x90000048  }
0xbd: {  	_ =	sfence  }
0xbe: {  	s30 =	sld [smem:$0x0];
	_ =	sdelay $0x2  }
0xbf: {  	s31 =	sshll.u32 s1, $0xD;
	s1 =	sshrl.u32 s1, $0x2  }
0xc0: {  	s3 =	sand.u32 $0x4000, s31;
	s1 =	sadd.s32 s1, s30  }
0xc1: {  	s0 =	sor.u32 s3, s0;
	s1 =	sshll.u32 s1, $0x11  }
0xc2: {  	s0 =	sor.u32 s1, s0  }
0xc3: {  	s0 =	sadd.s32 $0x8F2B, s0  }
0xc4: {  	[sflag:s0] =	ssyncadd.remote.s32 $0x1  }
0xc5: {  	_ =	sfence.sel $0xFFFF  }
0xc6: {  	[dreg:$0x0] =	wrdreg $0xFFFFFFFF;
	(pc) =	sbr.abs _section_cstart, $3  }
0xc7: {  	[dreg:$0x1] =	wrdreg $0xFFFFFFFF  }
0xc8: {  	_ =	task.clear_ibuf [dreg:s8], $0x2FFFF;
	_ =	strace $0x9FFFFFFF  }
0xc9: {  	(tm) =	ssettm $0x7FFFFFFF  }
tec
execute0_lowered:
.L_overlay_start_1:
0x0: {  	(tag) =	ssettag $0x1  }
0x1: {  	s1 =	rddreg [dreg:$0x0]  }
0x2: {  	s2 =	srdreg.scid;
	s0 =	stileid.u32  }
0x3: {  	s4 =	rddreg [dreg:$0x1];
	s9 =	sand.u32 $0x1, s2;
	s30 =	sshll.u32 s0, $0x1  }
0x4: {  	s10 =	rddreg [dreg:$0x2];
	s11 =	sor.u32 s9, s30  }
0x5: {  	s3 =	simm.s32 $0x0;
	s2 =	rddreg [dreg:$0x3];
	s5 =	smul.u32 $0x14, s11  }
0x6: {  	[smem:$0x7FF] =	sst s3  }
0x7: {  	_ =	strace $0x80000047;
	s5 =	sadd.s32 s4, s5;
	s4 =	simm.s32 $0x2  }
0x8: {  	[tilespmem:s3], [sflag:$0x2] =	stream.linear.gather [hbm4b:s5+s3], $0xA0, $0x38;
	[tilespmem:$0x5100] =	vst v63  }
0x9: {  	_ =	swait.ge [sflag:s4], $0xA0  }
0xa: {  	s6 =	simm.s32 $0x50;
	s7 =	simm.s32 $0x100;
	[sflag:s4] =	ssyncset.done $0x0  }
0xb: {  	s8 =	simm.s32 $0x1;
	s12 =	ssub.s32 $0x2, s9;
	[sflag:s4] =	ssyncadd.s32 $0xFFFFFF60  }
0xc: {  	[tilespmem:s7], [sflag:$0x1] =	stream.indirect.gather [hbm4b:s1+s6], $0x80, s3, s6, $0xb8;
	[tilespmem:$0x5100] =	vst v63  }
0xd: {  	s11 =	smul.u32 $0xA00, s11;
	s13 =	sshrl.u32 s12, $0x1;
	_ =	swait.ge [sflag:s8], $0x2800  }
0xe: {  	s9 =	simm.s32 $0x2900;
	s31 =	ssub.s32 s12, s13;
	[sflag:s8] =	ssyncset.done $0x0  }
0xf: {  	s10 =	sadd.s32 s11, s10;
	s11 =	smax.u32 s31, $0x1;
	[sflag:s8] =	ssyncadd.s32 $0xFFFFD800  }
0x10: {  	[tilespmem:s9], [sflag:$0x1] =	stream.indirect.gather [hbm4b:s1+s6], $0x80, s6, s6, $0xb8;
	[tilespmem:$0x5100] =	vst v63  }
0x11: {  	p0 =	sne.s32 s11, $0x1;
	_ =	swait.ge [sflag:s8], $0x2800  }
.Ltmp0:
0x12: {  	[sflag:s8] =	ssyncset.done $0x0;
	(pc) =	sbr.rel @!p0 .LBB2_2-.Ltmp0, $4  }
0x13: {  	s10 =	sadd.s32 $0x5E00, s10;
	[sflag:s8] =	ssyncadd.s32 $0xFFFFD800  }
0x14: {  	[hbm4b:s10+s3] =	stream.linear.scatter [tilespmem:s7], [sflag:$0x2], $0x5000, $0x38;
	[tilespmem:$0x5100] =	vst v63  }
0x15: {  	_ =	swait.ge [sflag:s4], $0x5000  }
0x16: {  	s11 =	sadd.s32 $0xFFFFFFFF, s11;
	[sflag:s4] =	ssyncset.done $0x0  }
.LBB2_1:
0x17: {  	p0 =	sne.s32 s11, $0x1;
	s11 =	sadd.s32 $0xFFFFFFFF, s11;
	[sflag:s4] =	ssyncadd.s32 $0xFFFFB000  }
0x18: {  	[tilespmem:s3], [sflag:$0x2] =	stream.linear.gather [hbm4b:s5+s3], $0xA0, $0x38;
	[tilespmem:$0x5100] =	vst v63  }
0x19: {  	_ =	swait.ge [sflag:s4], $0xA0  }
0x1a: {  	[sflag:s4] =	ssyncset.done $0x0  }
0x1b: {  	[sflag:s4] =	ssyncadd.s32 $0xFFFFFF60  }
0x1c: {  	[tilespmem:s7], [sflag:$0x1] =	stream.indirect.gather [hbm4b:s1+s6], $0x80, s3, s6, $0xb8;
	[tilespmem:$0x5100] =	vst v63  }
0x1d: {  	_ =	swait.ge [sflag:s8], $0x2800  }
0x1e: {  	[sflag:s8] =	ssyncset.done $0x0  }
0x1f: {  	[sflag:s8] =	ssyncadd.s32 $0xFFFFD800  }
0x20: {  	[tilespmem:s9], [sflag:$0x1] =	stream.indirect.gather [hbm4b:s1+s6], $0x80, s6, s6, $0xb8;
	[tilespmem:$0x5100] =	vst v63  }
0x21: {  	_ =	swait.ge [sflag:s8], $0x2800  }
.Ltmp1:
0x22: {  	[sflag:s8] =	ssyncset.done $0x0;
	(pc) =	sbr.rel @p0 .LBB2_1-.Ltmp1, $4  }
0x23: {  	[sflag:s8] =	ssyncadd.s32 $0xFFFFD800  }
0x24: {  	[hbm4b:s10+s3] =	stream.linear.scatter [tilespmem:s7], [sflag:$0x2], $0x5000, $0x38;
	[tilespmem:$0x5100] =	vst v63  }
0x25: {  	_ =	swait.ge [sflag:s4], $0x5000  }
0x26: {  	[sflag:s4] =	ssyncset.done $0x0  }
.LBB2_2:
0x27: {  	[sflag:s4] =	ssyncadd.s32 $0xFFFFB000  }
0x28: {  	_ =	sfence.sel $0x180000  }
0x29: {  	[bflag:$0x0] =	sbarrier.arrive $0xFFFF  }
0x2a: {  	p0 =	sne.s32 s0, $0x0;
	_ =	strace $0x90000047  }
0x2b: {  	s0 =	sadd.s32 @!p0 $0x100000, s2;
	[bflag:$0x2] =	sbarrier.arrive $0xFFFF  }
0x2c: {  	[sflag:s0] =	ssyncadd.tile.s32 @!p0 $0x1;
	_ =	shalt  }
.Lfunc_end2:
_tile_overlayer_lowered:
.L_overlay_start_2:
0x2d: {  	(tag) =	ssettag $0x2  }
0x2e: {  	s0 =	rddreg [dreg:$0x0];
	s2 =	stileid.u32  }
0x2f: {  	s1 =	rddreg [dreg:$0x1];
	p0 =	sne.s32 s2, $0x0  }
0x30: {  	s3 =	rddreg [dreg:$0x2];
	[bflag:$0x3] =	sbarrier.arrive $0xFFFF;
	s2 =	simm.s32 @!p0 $0x1C02  }
0x31: {  	[timem:s3], [sflag:s2] =	dma.local @!p0 [hbm:s0], s1  }
0x32: {  	s0 =	simm.s32 @!p0 $0x2  }
0x33: {  	_ =	swait.ge @!p0 [sflag:s0], s1  }
0x34: {  	s1 =	ssub.s32 @!p0 $0x0, s1;
	[sflag:s0] =	ssyncset.done @!p0 $0x0  }
0x35: {  	[sflag:s0] =	ssyncadd.s32 @!p0 s1  }
0x36: {  	[bflag:$0x3] =	sbarrier.arrive $0xFFFF  }
0x37: {  	_ =	shalt  }

</sc_bundles>
